<compile_context>
chip_gen: v7x
topology: tpu7x:2x2x1
jax: 0.10.2.dev20260603
libtpu: 0.0.44.dev20260713+nightly
codegen_flags: <defaults>
</compile_context>

<pallas_src>
import functools

import jax
import jax.numpy as jnp
from jax import lax
from jax.experimental import pallas as pl
from jax.experimental.pallas import tpu as pltpu
from jax.experimental.pallas import tpu_sc as plsc

B, S, H = 1, 2048, 768
I = 1536
E = 8
K = 2
T = B * S
P = K * T

BLK = 256
NB = P // BLK + E
P_MAX = NB * BLK

NW = 32
GCH = T // NW

BT = 1024
NT = T // BT


def _router_kernel(x_ref, wg_ref, pos_ref, w01_ref, bmap_ref, bact_ref,
                   aux_ref):
    x = x_ref[...]
    wg = wg_ref[...]
    logits = lax.dot_general(x, wg, (((1,), (1,)), ((), ())),
                             preferred_element_type=jnp.float32)
    m = jnp.max(logits, axis=1, keepdims=True)
    ex = jnp.exp(logits - m)
    denom = jnp.sum(ex, axis=1, keepdims=True)
    p = ex / denom

    i1 = jnp.argmax(p, axis=1)
    cols = lax.broadcasted_iota(jnp.int32, (T, E), 1)
    oh1 = (cols == i1[:, None]).astype(jnp.float32)
    v1 = jnp.sum(p * oh1, axis=1, keepdims=True)
    p2 = jnp.where(cols == i1[:, None], -jnp.inf, p)
    i2 = jnp.argmax(p2, axis=1)
    oh2 = (cols == i2[:, None]).astype(jnp.float32)
    v2 = jnp.sum(p * oh2, axis=1, keepdims=True)

    s = v1 + v2 + 1e-9
    w01_ref[...] = jnp.concatenate([v1 / s, v2 / s], axis=1)

    rows = lax.broadcasted_iota(jnp.int32, (E, T), 0)
    oh1t = (rows == i1[None, :]).astype(jnp.float32)
    oh2t = (rows == i2[None, :]).astype(jnp.float32)

    def _lane_cumsum_excl(a):
        c = a
        sh = 1
        while sh < T:
            c = c + jnp.concatenate(
                [jnp.zeros((E, sh), jnp.float32), c[:, :T - sh]], axis=1)
            sh *= 2
        return c - a

    c1 = _lane_cumsum_excl(oh1t)
    c2 = _lane_cumsum_excl(oh2t)
    cnt1 = jnp.sum(oh1t, axis=1, keepdims=True)
    counts = cnt1 + jnp.sum(oh2t, axis=1, keepdims=True)
    pc = jnp.ceil(counts / BLK) * BLK
    cp = pc
    sh = 1
    while sh < E:
        cp = cp + jnp.concatenate(
            [jnp.zeros((sh, 1), jnp.float32), cp[:E - sh]], axis=0)
        sh *= 2
    excl = cp - pc
    pos0 = jnp.sum((excl + c1) * oh1t, axis=0)[None, :]
    pos1 = jnp.sum((excl + cnt1 + c2) * oh2t, axis=0)[None, :]
    pos_ref[...] = jnp.concatenate(
        [pos0, pos1], axis=1).astype(jnp.int32)

    total_padded = cp[E - 1:E, :]
    istart = lax.broadcasted_iota(
        jnp.int32, (NB, E), 0).astype(jnp.float32) * BLK
    cp_row = jnp.sum(
        (lax.broadcasted_iota(jnp.int32, (E, E), 0)
         == lax.broadcasted_iota(jnp.int32, (E, E), 1)).astype(jnp.float32)
        * cp, axis=0)[None, :]
    be_raw = jnp.sum((istart >= cp_row).astype(jnp.int32), axis=1)
    bmap_ref[...] = jnp.minimum(be_raw, E - 1)[None, :]
    bact_ref[...] = (istart[:, 0] < total_padded[0, 0]).astype(
        jnp.int32)[None, :]

    tpe = counts[:, 0] / (T * K + 1e-9)
    avg_p = jnp.mean(p, axis=0)
    lb = E * jnp.sum(tpe * avg_p)
    lse = m[:, 0] + jnp.log(denom[:, 0])
    z_loss = jnp.mean(jnp.square(lse)) * 0.001
    entropy = jnp.mean(-jnp.sum(p * jnp.log(p + 1e-9), axis=1))
    ent_loss = (jnp.log(jnp.float32(E)) - entropy) * 0.01
    usage = jnp.mean((tpe > 0.01).astype(jnp.float32))
    util_loss = (1.0 - usage) * 0.1
    aux = lb + z_loss + ent_loss + util_loss
    aux_ref[...] = jnp.broadcast_to(aux[None, None], (1, 1))


def _router(x, w_gate):
    return pl.pallas_call(
        _router_kernel,
        out_shape=(
            jax.ShapeDtypeStruct((1, P), jnp.int32),
            jax.ShapeDtypeStruct((T, 2), jnp.float32),
            jax.ShapeDtypeStruct((1, NB), jnp.int32),
            jax.ShapeDtypeStruct((1, NB), jnp.int32),
            jax.ShapeDtypeStruct((1, 1), jnp.float32),
        ),
    )(x, w_gate)


@functools.lru_cache(maxsize=None)
def _sc_dispatch_call():
    mesh = plsc.VectorSubcoreMesh(core_axis_name="c", subcore_axis_name="s")

    @functools.partial(
        pl.kernel,
        out_type=jax.ShapeDtypeStruct((P_MAX, H), jnp.float32),
        mesh=mesh,
        scratch_types=[
            pltpu.VMEM((GCH,), jnp.int32),
            pltpu.VMEM((GCH,), jnp.int32),
            pltpu.VMEM((GCH, H), jnp.float32),
            pltpu.SemaphoreType.DMA,
        ],
    )
    def _sc_dispatch(x_hbm, pos_hbm, xs_hbm, p0_v, p1_v, rows_v, sem):
        wid = lax.axis_index("s") * 2 + lax.axis_index("c")
        base = wid * GCH
        pltpu.sync_copy(pos_hbm.at[pl.ds(base, GCH)], p0_v)
        pltpu.sync_copy(pos_hbm.at[pl.ds(T + base, GCH)], p1_v)
        pltpu.sync_copy(x_hbm.at[pl.ds(base, GCH)], rows_v)
        cp0 = pltpu.async_copy(rows_v, xs_hbm.at[p0_v], sem)
        cp1 = pltpu.async_copy(rows_v, xs_hbm.at[p1_v], sem)
        cp0.wait()
        cp1.wait()

    return _sc_dispatch


@functools.lru_cache(maxsize=None)
def _sc_gatherback_call():
    mesh = plsc.VectorSubcoreMesh(core_axis_name="c", subcore_axis_name="s")

    @functools.partial(
        pl.kernel,
        out_type=(
            jax.ShapeDtypeStruct((T, H), jnp.float32),
            jax.ShapeDtypeStruct((T, H), jnp.float32),
        ),
        mesh=mesh,
        scratch_types=[
            pltpu.VMEM((GCH,), jnp.int32),
            pltpu.VMEM((GCH,), jnp.int32),
            pltpu.VMEM((GCH, H), jnp.float32),
            pltpu.VMEM((GCH, H), jnp.float32),
            pltpu.SemaphoreType.DMA,
        ],
    )
    def _sc_gatherback(ys_hbm, pos_hbm, y0_hbm, y1_hbm, p0_v, p1_v, r0_v,
                       r1_v, sem):
        wid = lax.axis_index("s") * 2 + lax.axis_index("c")
        base = wid * GCH
        pltpu.sync_copy(pos_hbm.at[pl.ds(base, GCH)], p0_v)
        pltpu.sync_copy(pos_hbm.at[pl.ds(T + base, GCH)], p1_v)
        cp0 = pltpu.async_copy(ys_hbm.at[p0_v], r0_v, sem)
        cp1 = pltpu.async_copy(ys_hbm.at[p1_v], r1_v, sem)
        cp0.wait()
        cp1.wait()
        pltpu.sync_copy(r0_v, y0_hbm.at[pl.ds(base, GCH)])
        pltpu.sync_copy(r1_v, y1_hbm.at[pl.ds(base, GCH)])

    return _sc_gatherback


def _xs_idx(i, bm, ba):
    return (jnp.where(ba[i] == 1, i, 0), 0)


def _w_idx(i, bm, ba):
    return (bm[i], 0, 0)


def _out_idx(i, bm, ba):
    return (jnp.where(ba[i] == 1, i, NB - 1), 0)


def _gmm_kernel(bmap_ref, bact_ref, xs_ref, wg_ref, wu_ref, wd_ref, out_ref):
    i = pl.program_id(0)

    @pl.when(bact_ref[i] == 1)
    def _():
        x = xs_ref[...]
        g = lax.dot_general(x, wg_ref[0], (((1,), (1,)), ((), ())),
                            preferred_element_type=jnp.float32)
        u = lax.dot_general(x, wu_ref[0], (((1,), (1,)), ((), ())),
                            preferred_element_type=jnp.float32)
        a = g * jax.nn.sigmoid(g) * u
        out_ref[...] = lax.dot_general(a, wd_ref[0], (((1,), (1,)), ((), ())),
                                       preferred_element_type=jnp.float32)


def _gmm(xs, Wg, Wu, Wd, bmap, bact):
    return pl.pallas_call(
        _gmm_kernel,
        grid_spec=pltpu.PrefetchScalarGridSpec(
            num_scalar_prefetch=2,
            grid=(NB,),
            in_specs=[
                pl.BlockSpec((BLK, H), _xs_idx),
                pl.BlockSpec((1, I, H), _w_idx),
                pl.BlockSpec((1, I, H), _w_idx),
                pl.BlockSpec((1, H, I), _w_idx),
            ],
            out_specs=pl.BlockSpec((BLK, H), _out_idx),
        ),
        out_shape=jax.ShapeDtypeStruct((P_MAX, H), jnp.float32),
        compiler_params=pltpu.CompilerParams(
            dimension_semantics=("arbitrary",),
        ),
    )(bmap, bact, xs, Wg, Wu, Wd)


def _shared_kernel(x_ref, wsg_ref, wsu_ref, wsd_ref, sg_ref, out_ref):
    x = x_ref[...]
    g = lax.dot_general(x, wsg_ref[...], (((1,), (1,)), ((), ())),
                        preferred_element_type=jnp.float32)
    u = lax.dot_general(x, wsu_ref[...], (((1,), (1,)), ((), ())),
                        preferred_element_type=jnp.float32)
    a = g * jax.nn.sigmoid(g) * u
    y = lax.dot_general(a, wsd_ref[...], (((1,), (1,)), ((), ())),
                        preferred_element_type=jnp.float32)
    out_ref[...] = y * jax.nn.sigmoid(sg_ref[0, 0])


def _shared(x, Wsg, Wsu, Wsd, sg):
    return pl.pallas_call(
        _shared_kernel,
        grid=(NT,),
        in_specs=[
            pl.BlockSpec((BT, H), lambda t: (t, 0)),
            pl.BlockSpec((I, H), lambda t: (0, 0)),
            pl.BlockSpec((I, H), lambda t: (0, 0)),
            pl.BlockSpec((H, I), lambda t: (0, 0)),
            pl.BlockSpec((1, 1), lambda t: (0, 0)),
        ],
        out_specs=pl.BlockSpec((BT, H), lambda t: (t, 0)),
        out_shape=jax.ShapeDtypeStruct((T, H), jnp.float32),
        compiler_params=pltpu.CompilerParams(
            dimension_semantics=("parallel",),
        ),
    )(x, Wsg, Wsu, Wsd, sg)


def _combine_kernel(y0_ref, y1_ref, sh_ref, w_ref, out_ref):
    w = w_ref[...]
    out_ref[...] = (y0_ref[...] * w[:, 0:1] + y1_ref[...] * w[:, 1:2]
                    + sh_ref[...])


def _combine(y0, y1, shr, w01):
    return pl.pallas_call(
        _combine_kernel,
        grid=(NT,),
        in_specs=[
            pl.BlockSpec((BT, H), lambda t: (t, 0)),
            pl.BlockSpec((BT, H), lambda t: (t, 0)),
            pl.BlockSpec((BT, H), lambda t: (t, 0)),
            pl.BlockSpec((BT, 2), lambda t: (t, 0)),
        ],
        out_specs=pl.BlockSpec((BT, H), lambda t: (t, 0)),
        out_shape=jax.ShapeDtypeStruct((T, H), jnp.float32),
        compiler_params=pltpu.CompilerParams(
            dimension_semantics=("parallel",),
        ),
    )(y0, y1, shr, w01)


def kernel(hidden_states, W_gate, Wg, Wu, Wd, Wsg, Wsu, Wsd, shared_gate):
    x = hidden_states.reshape(T, H)
    pos, w01, bmap, bact, aux = _router(x, W_gate)
    pos1d = pos.reshape(P)
    xs = _sc_dispatch_call()(x, pos1d)
    ys = _gmm(xs, Wg, Wu, Wd, bmap.reshape(NB), bact.reshape(NB))
    shr = _shared(x, Wsg, Wsu, Wsd, shared_gate.reshape(1, 1))
    y0, y1 = _sc_gatherback_call()(ys, pos1d)
    out = _combine(y0, y1, shr, w01)
    return out.reshape(B, S, H), aux[0, 0]

# --- scband reference (transcript-rebuilt; emitter-appended) ---
"""Pipeline reference for scband-mo-elayer-1726576853053 (READ-ONLY COPY).

The authoritative reference and input builder live on the scoring server;
editing this copy changes nothing except your own understanding.
"""

import jax, jax.numpy as jnp
import numpy as np

B, S, H = 1, 2048, 768
I = 1536
E = 8
K = 2


def setup_inputs(seed: int = 0) -> dict:
    key = jax.random.key(seed)
    ks = jax.random.split(key, 9)
    hidden_states = jax.random.normal(ks[0], (B, S, H), dtype=jnp.float32)
    W_gate = jax.random.normal(ks[1], (E, H), dtype=jnp.float32) * 0.02
    Wg = jax.random.normal(ks[2], (E, I, H), dtype=jnp.float32) * 0.02
    Wu = jax.random.normal(ks[3], (E, I, H), dtype=jnp.float32) * 0.02
    Wd = jax.random.normal(ks[4], (E, H, I), dtype=jnp.float32) * 0.02
    Wsg = jax.random.normal(ks[5], (I, H), dtype=jnp.float32) * 0.02
    Wsu = jax.random.normal(ks[6], (I, H), dtype=jnp.float32) * 0.02
    Wsd = jax.random.normal(ks[7], (H, I), dtype=jnp.float32) * 0.02
    shared_gate = jnp.ones((1,), dtype=jnp.float32) * 0.5
    return {
        'hidden_states': hidden_states,
        'W_gate': W_gate,
        'Wg': Wg,
        'Wu': Wu,
        'Wd': Wd,
        'Wsg': Wsg,
        'Wsu': Wsu,
        'Wsd': Wsd,
        'shared_gate': shared_gate,
    }


def reference(hidden_states, W_gate, Wg, Wu, Wd, Wsg, Wsu, Wsd, shared_gate):
    b, s, h = hidden_states.shape
    x = hidden_states.reshape(-1, h)
    T = x.shape[0]
    # Router (eval mode: no noise)
    router_logits = x @ W_gate.T                      # [T, E]
    router_probs = jax.nn.softmax(router_logits, axis=-1)
    top_k_probs, top_k_indices = jax.lax.top_k(router_probs, K)
    top_k_probs = top_k_probs / (top_k_probs.sum(axis=-1, keepdims=True) + 1e-9)
    # Per-token per-expert combine weights (zero for unselected experts,
    # mathematically identical to the torch masked-gather loop)
    expert_mask = jax.nn.one_hot(top_k_indices, E, dtype=jnp.float32)  # [T, K, E]
    combine_w = (expert_mask * top_k_probs[..., None]).sum(axis=1)     # [T, E]
    final = jnp.zeros_like(x)
    for e in range(E):
        gate = jax.nn.silu(x @ Wg[e].T)
        up = x @ Wu[e].T
        out_e = (gate * up) @ Wd[e].T
        final = final + combine_w[:, e:e + 1] * out_e
    # Shared expert (always active, DeepSeek-style)
    sh_gate = jax.nn.silu(x @ Wsg.T)
    sh_up = x @ Wsu.T
    shared_out = ((sh_gate * sh_up) @ Wsd.T) * jax.nn.sigmoid(shared_gate)
    final = final + shared_out
    final = final.reshape(b, s, h)
    # Auxiliary loss
    tokens_per_expert = expert_mask.sum(axis=(0, 1)) / (T * K + 1e-9)
    avg_probs = router_probs.mean(axis=0)
    load_balance_loss = E * (tokens_per_expert * avg_probs).sum()
    z_loss = jnp.square(jax.scipy.special.logsumexp(router_logits, axis=-1)).mean() * 0.001
    entropy = -(router_probs * jnp.log(router_probs + 1e-9)).sum(axis=-1).mean()
    max_entropy = jnp.log(jnp.float32(E))
    entropy_loss = (max_entropy - entropy) * 0.01
    expert_usage = (tokens_per_expert > 0.01).astype(jnp.float32).mean()
    utilization_loss = (1.0 - expert_usage) * 0.1
    aux_loss = load_balance_loss + z_loss + entropy_loss + utilization_loss
    return final, aux_loss

if __name__ == "__main__":
    import jax
    _d = setup_inputs()
    print(jax.jit(kernel)(*tuple(_d.values())))

</pallas_src>

<mosaic_0001>
#map = affine_map<(d0, d1) -> (0, 0)>
#map1 = affine_map<(d0, d1) -> (0)>
module attributes {stable_mosaic.version = 14 : i64} {
  func.func @_sc_dispatch(%arg0: i32, %arg1: i32, %arg2: memref<2048x768xf32, #tpu.memory_space<hbm>>, %arg3: memref<4096xi32, #tpu.memory_space<hbm>>, %arg4: memref<6144x768xf32, #tpu.memory_space<hbm>>, %arg5: memref<64xi32, #tpu.memory_space<vmem>>, %arg6: memref<64xi32, #tpu.memory_space<vmem>>, %arg7: memref<64x768xf32, #tpu.memory_space<vmem>>, %arg8: memref<!tpu.dma_semaphore, #tpu.memory_space<semaphore_mem>>) attributes {dimension_semantics = [#tpu.dimension_semantics<core_parallel>, #tpu.dimension_semantics<subcore_parallel>], iteration_bounds = array<i64: 2, 16>, scalar_prefetch = 0 : i64, scratch_operands = 4 : i64, tpu.core_type = #tpu.core_type<sc_vector_subcore>, window_params = [{transform_indices = #map}, {transform_indices = #map1}, {transform_indices = #map}]} {
    %mul3A = arith.constant 2 : i32
    %mul3A_0 = arith.muli %arg1, %mul3A : i32
    %add3A = arith.addi %mul3A_0, %arg0 : i32
    %mul3A_1 = arith.constant 64 : i32
    %mul3A_2 = arith.muli %add3A, %mul3A_1 : i32
    "tpu.region"() ({
      %run_scoped3A = tpu.sem_alloc : memref<!tpu.dma_semaphore, #tpu.memory_space<semaphore_mem>>
      %dma_start3A_15 = tpu.memref_slice %arg3[%mul3A_2] : memref<4096xi32, #tpu.memory_space<hbm>> -> memref<64xi32, #tpu.memory_space<hbm>>
      %dma_start3A_16 = tpu.memref_slice %arg3[%mul3A_2] : memref<4096xi32, #tpu.memory_space<hbm>> -> memref<64xi32, #tpu.memory_space<hbm>>
      tpu.enqueue_dma source(%dma_start3A_16 : memref<64xi32, #tpu.memory_space<hbm>>) target(%arg5 : memref<64xi32, #tpu.memory_space<vmem>>) target_semaphore(%run_scoped3A : memref<!tpu.dma_semaphore, #tpu.memory_space<semaphore_mem>>)
      %dma_wait3A_17 = tpu.memref_slice %arg3[%mul3A_2] : memref<4096xi32, #tpu.memory_space<hbm>> -> memref<64xi32, #tpu.memory_space<hbm>>
      %dma_wait3A_18 = tpu.memref_slice %arg3[%mul3A_2] : memref<4096xi32, #tpu.memory_space<hbm>> -> memref<64xi32, #tpu.memory_space<hbm>>
      tpu.wait_dma2 semaphore(%run_scoped3A : memref<!tpu.dma_semaphore, #tpu.memory_space<semaphore_mem>>) src(%dma_wait3A_18 : memref<64xi32, #tpu.memory_space<hbm>>) dst(%arg5 : memref<64xi32, #tpu.memory_space<vmem>>)
      tpu.yield
    }) : () -> ()
    %add3A_3 = arith.constant 2048 : i32
    %add3A_4 = arith.addi %add3A_3, %mul3A_2 : i32
    "tpu.region"() ({
      %run_scoped3A = tpu.sem_alloc : memref<!tpu.dma_semaphore, #tpu.memory_space<semaphore_mem>>
      %dma_start3A_15 = tpu.memref_slice %arg3[%add3A_4] : memref<4096xi32, #tpu.memory_space<hbm>> -> memref<64xi32, #tpu.memory_space<hbm>>
      %dma_start3A_16 = tpu.memref_slice %arg3[%add3A_4] : memref<4096xi32, #tpu.memory_space<hbm>> -> memref<64xi32, #tpu.memory_space<hbm>>
      tpu.enqueue_dma source(%dma_start3A_16 : memref<64xi32, #tpu.memory_space<hbm>>) target(%arg6 : memref<64xi32, #tpu.memory_space<vmem>>) target_semaphore(%run_scoped3A : memref<!tpu.dma_semaphore, #tpu.memory_space<semaphore_mem>>)
      %dma_wait3A_17 = tpu.memref_slice %arg3[%add3A_4] : memref<4096xi32, #tpu.memory_space<hbm>> -> memref<64xi32, #tpu.memory_space<hbm>>
      %dma_wait3A_18 = tpu.memref_slice %arg3[%add3A_4] : memref<4096xi32, #tpu.memory_space<hbm>> -> memref<64xi32, #tpu.memory_space<hbm>>
      tpu.wait_dma2 semaphore(%run_scoped3A : memref<!tpu.dma_semaphore, #tpu.memory_space<semaphore_mem>>) src(%dma_wait3A_18 : memref<64xi32, #tpu.memory_space<hbm>>) dst(%arg6 : memref<64xi32, #tpu.memory_space<vmem>>)
      tpu.yield
    }) : () -> ()
    "tpu.region"() ({
      %run_scoped3A = tpu.sem_alloc : memref<!tpu.dma_semaphore, #tpu.memory_space<semaphore_mem>>
      %dma_start3A_15 = arith.constant 0 : i32
      %dma_start3A_16 = tpu.memref_slice %arg2[%mul3A_2, %dma_start3A_15] : memref<2048x768xf32, #tpu.memory_space<hbm>> -> memref<64x768xf32, #tpu.memory_space<hbm>>
      %dma_start3A_17 = arith.constant 0 : i32
      %dma_start3A_18 = tpu.memref_slice %arg2[%mul3A_2, %dma_start3A_17] : memref<2048x768xf32, #tpu.memory_space<hbm>> -> memref<64x768xf32, #tpu.memory_space<hbm>>
      tpu.enqueue_dma source(%dma_start3A_18 : memref<64x768xf32, #tpu.memory_space<hbm>>) target(%arg7 : memref<64x768xf32, #tpu.memory_space<vmem>>) target_semaphore(%run_scoped3A : memref<!tpu.dma_semaphore, #tpu.memory_space<semaphore_mem>>)
      %dma_wait3A_19 = arith.constant 0 : i32
      %dma_wait3A_20 = tpu.memref_slice %arg2[%mul3A_2, %dma_wait3A_19] : memref<2048x768xf32, #tpu.memory_space<hbm>> -> memref<64x768xf32, #tpu.memory_space<hbm>>
      %dma_wait3A_21 = arith.constant 0 : i32
      %dma_wait3A_22 = tpu.memref_slice %arg2[%mul3A_2, %dma_wait3A_21] : memref<2048x768xf32, #tpu.memory_space<hbm>> -> memref<64x768xf32, #tpu.memory_space<hbm>>
      tpu.wait_dma2 semaphore(%run_scoped3A : memref<!tpu.dma_semaphore, #tpu.memory_space<semaphore_mem>>) src(%dma_wait3A_22 : memref<64x768xf32, #tpu.memory_space<hbm>>) dst(%arg7 : memref<64x768xf32, #tpu.memory_space<vmem>>)
      tpu.yield
    }) : () -> ()
    %dma_start3A = arith.constant 0 : i32
    %dma_start3A_5 = arith.constant 0 : i32
    %dma_start3A_6 = tpu.memref_slice %arg4[%dma_start3A, %dma_start3A_5] : memref<6144x768xf32, #tpu.memory_space<hbm>> -> memref<6144x768xf32, #tpu.memory_space<hbm>>
    tpu.enqueue_indirect_dma source(%arg7 : memref<64x768xf32, #tpu.memory_space<vmem>>) target(%dma_start3A_6 : memref<6144x768xf32, #tpu.memory_space<hbm>>) offsets(%arg5 : memref<64xi32, #tpu.memory_space<vmem>>) semaphore(%arg8 : memref<!tpu.dma_semaphore, #tpu.memory_space<semaphore_mem>>)
    %dma_start3A_7 = arith.constant 0 : i32
    %dma_start3A_8 = arith.constant 0 : i32
    %dma_start3A_9 = tpu.memref_slice %arg4[%dma_start3A_7, %dma_start3A_8] : memref<6144x768xf32, #tpu.memory_space<hbm>> -> memref<6144x768xf32, #tpu.memory_space<hbm>>
    tpu.enqueue_indirect_dma source(%arg7 : memref<64x768xf32, #tpu.memory_space<vmem>>) target(%dma_start3A_9 : memref<6144x768xf32, #tpu.memory_space<hbm>>) offsets(%arg6 : memref<64xi32, #tpu.memory_space<vmem>>) semaphore(%arg8 : memref<!tpu.dma_semaphore, #tpu.memory_space<semaphore_mem>>)
    %dma_wait3A = arith.constant 0 : i32
    %dma_wait3A_10 = arith.constant 0 : i32
    %dma_wait3A_11 = tpu.memref_slice %arg4[%dma_wait3A, %dma_wait3A_10] : memref<6144x768xf32, #tpu.memory_space<hbm>> -> memref<6144x768xf32, #tpu.memory_space<hbm>>
    tpu.wait_indirect_dma semaphore(%arg8 : memref<!tpu.dma_semaphore, #tpu.memory_space<semaphore_mem>>) src(%arg7 : memref<64x768xf32, #tpu.memory_space<vmem>>) dst(%dma_wait3A_11 : memref<6144x768xf32, #tpu.memory_space<hbm>>)
    %dma_wait3A_12 = arith.constant 0 : i32
    %dma_wait3A_13 = arith.constant 0 : i32
    %dma_wait3A_14 = tpu.memref_slice %arg4[%dma_wait3A_12, %dma_wait3A_13] : memref<6144x768xf32, #tpu.memory_space<hbm>> -> memref<6144x768xf32, #tpu.memory_space<hbm>>
    tpu.wait_indirect_dma semaphore(%arg8 : memref<!tpu.dma_semaphore, #tpu.memory_space<semaphore_mem>>) src(%arg7 : memref<64x768xf32, #tpu.memory_space<vmem>>) dst(%dma_wait3A_14 : memref<6144x768xf32, #tpu.memory_space<hbm>>)
    return
  }
}

#map = affine_map<(d0, d1) -> (0, 0)>
#map1 = affine_map<(d0, d1) -> (0)>
module attributes {stable_mosaic.version = 14 : i64} {
  func.func @_sc_gatherback(%arg0: i32, %arg1: i32, %arg2: memref<6144x768xf32, #tpu.memory_space<hbm>>, %arg3: memref<4096xi32, #tpu.memory_space<hbm>>, %arg4: memref<2048x768xf32, #tpu.memory_space<hbm>>, %arg5: memref<2048x768xf32, #tpu.memory_space<hbm>>, %arg6: memref<64xi32, #tpu.memory_space<vmem>>, %arg7: memref<64xi32, #tpu.memory_space<vmem>>, %arg8: memref<64x768xf32, #tpu.memory_space<vmem>>, %arg9: memref<64x768xf32, #tpu.memory_space<vmem>>, %arg10: memref<!tpu.dma_semaphore, #tpu.memory_space<semaphore_mem>>) attributes {dimension_semantics = [#tpu.dimension_semantics<core_parallel>, #tpu.dimension_semantics<subcore_parallel>], iteration_bounds = array<i64: 2, 16>, scalar_prefetch = 0 : i64, scratch_operands = 5 : i64, tpu.core_type = #tpu.core_type<sc_vector_subcore>, window_params = [{transform_indices = #map}, {transform_indices = #map1}, {transform_indices = #map}, {transform_indices = #map}]} {
    %mul3A = arith.constant 2 : i32
    %mul3A_0 = arith.muli %arg1, %mul3A : i32
    %add3A = arith.addi %mul3A_0, %arg0 : i32
    %mul3A_1 = arith.constant 64 : i32
    %mul3A_2 = arith.muli %add3A, %mul3A_1 : i32
    "tpu.region"() ({
      %run_scoped3A = tpu.sem_alloc : memref<!tpu.dma_semaphore, #tpu.memory_space<semaphore_mem>>
      %dma_start3A_15 = tpu.memref_slice %arg3[%mul3A_2] : memref<4096xi32, #tpu.memory_space<hbm>> -> memref<64xi32, #tpu.memory_space<hbm>>
      %dma_start3A_16 = tpu.memref_slice %arg3[%mul3A_2] : memref<4096xi32, #tpu.memory_space<hbm>> -> memref<64xi32, #tpu.memory_space<hbm>>
      tpu.enqueue_dma source(%dma_start3A_16 : memref<64xi32, #tpu.memory_space<hbm>>) target(%arg6 : memref<64xi32, #tpu.memory_space<vmem>>) target_semaphore(%run_scoped3A : memref<!tpu.dma_semaphore, #tpu.memory_space<semaphore_mem>>)
      %dma_wait3A_17 = tpu.memref_slice %arg3[%mul3A_2] : memref<4096xi32, #tpu.memory_space<hbm>> -> memref<64xi32, #tpu.memory_space<hbm>>
      %dma_wait3A_18 = tpu.memref_slice %arg3[%mul3A_2] : memref<4096xi32, #tpu.memory_space<hbm>> -> memref<64xi32, #tpu.memory_space<hbm>>
      tpu.wait_dma2 semaphore(%run_scoped3A : memref<!tpu.dma_semaphore, #tpu.memory_space<semaphore_mem>>) src(%dma_wait3A_18 : memref<64xi32, #tpu.memory_space<hbm>>) dst(%arg6 : memref<64xi32, #tpu.memory_space<vmem>>)
      tpu.yield
    }) : () -> ()
    %add3A_3 = arith.constant 2048 : i32
    %add3A_4 = arith.addi %add3A_3, %mul3A_2 : i32
    "tpu.region"() ({
      %run_scoped3A = tpu.sem_alloc : memref<!tpu.dma_semaphore, #tpu.memory_space<semaphore_mem>>
      %dma_start3A_15 = tpu.memref_slice %arg3[%add3A_4] : memref<4096xi32, #tpu.memory_space<hbm>> -> memref<64xi32, #tpu.memory_space<hbm>>
      %dma_start3A_16 = tpu.memref_slice %arg3[%add3A_4] : memref<4096xi32, #tpu.memory_space<hbm>> -> memref<64xi32, #tpu.memory_space<hbm>>
      tpu.enqueue_dma source(%dma_start3A_16 : memref<64xi32, #tpu.memory_space<hbm>>) target(%arg7 : memref<64xi32, #tpu.memory_space<vmem>>) target_semaphore(%run_scoped3A : memref<!tpu.dma_semaphore, #tpu.memory_space<semaphore_mem>>)
      %dma_wait3A_17 = tpu.memref_slice %arg3[%add3A_4] : memref<4096xi32, #tpu.memory_space<hbm>> -> memref<64xi32, #tpu.memory_space<hbm>>
      %dma_wait3A_18 = tpu.memref_slice %arg3[%add3A_4] : memref<4096xi32, #tpu.memory_space<hbm>> -> memref<64xi32, #tpu.memory_space<hbm>>
      tpu.wait_dma2 semaphore(%run_scoped3A : memref<!tpu.dma_semaphore, #tpu.memory_space<semaphore_mem>>) src(%dma_wait3A_18 : memref<64xi32, #tpu.memory_space<hbm>>) dst(%arg7 : memref<64xi32, #tpu.memory_space<vmem>>)
      tpu.yield
    }) : () -> ()
    %dma_start3A = arith.constant 0 : i32
    %dma_start3A_5 = arith.constant 0 : i32
    %dma_start3A_6 = tpu.memref_slice %arg2[%dma_start3A, %dma_start3A_5] : memref<6144x768xf32, #tpu.memory_space<hbm>> -> memref<6144x768xf32, #tpu.memory_space<hbm>>
    tpu.enqueue_indirect_dma source(%dma_start3A_6 : memref<6144x768xf32, #tpu.memory_space<hbm>>) target(%arg8 : memref<64x768xf32, #tpu.memory_space<vmem>>) offsets(%arg6 : memref<64xi32, #tpu.memory_space<vmem>>) semaphore(%arg10 : memref<!tpu.dma_semaphore, #tpu.memory_space<semaphore_mem>>)
    %dma_start3A_7 = arith.constant 0 : i32
    %dma_start3A_8 = arith.constant 0 : i32
    %dma_start3A_9 = tpu.memref_slice %arg2[%dma_start3A_7, %dma_start3A_8] : memref<6144x768xf32, #tpu.memory_space<hbm>> -> memref<6144x768xf32, #tpu.memory_space<hbm>>
    tpu.enqueue_indirect_dma source(%dma_start3A_9 : memref<6144x768xf32, #tpu.memory_space<hbm>>) target(%arg9 : memref<64x768xf32, #tpu.memory_space<vmem>>) offsets(%arg7 : memref<64xi32, #tpu.memory_space<vmem>>) semaphore(%arg10 : memref<!tpu.dma_semaphore, #tpu.memory_space<semaphore_mem>>)
    %dma_wait3A = arith.constant 0 : i32
    %dma_wait3A_10 = arith.constant 0 : i32
    %dma_wait3A_11 = tpu.memref_slice %arg2[%dma_wait3A, %dma_wait3A_10] : memref<6144x768xf32, #tpu.memory_space<hbm>> -> memref<6144x768xf32, #tpu.memory_space<hbm>>
    tpu.wait_indirect_dma semaphore(%arg10 : memref<!tpu.dma_semaphore, #tpu.memory_space<semaphore_mem>>) src(%dma_wait3A_11 : memref<6144x768xf32, #tpu.memory_space<hbm>>) dst(%arg8 : memref<64x768xf32, #tpu.memory_space<vmem>>)
    %dma_wait3A_12 = arith.constant 0 : i32
    %dma_wait3A_13 = arith.constant 0 : i32
    %dma_wait3A_14 = tpu.memref_slice %arg2[%dma_wait3A_12, %dma_wait3A_13] : memref<6144x768xf32, #tpu.memory_space<hbm>> -> memref<6144x768xf32, #tpu.memory_space<hbm>>
    tpu.wait_indirect_dma semaphore(%arg10 : memref<!tpu.dma_semaphore, #tpu.memory_space<semaphore_mem>>) src(%dma_wait3A_14 : memref<6144x768xf32, #tpu.memory_space<hbm>>) dst(%arg9 : memref<64x768xf32, #tpu.memory_space<vmem>>)
    "tpu.region"() ({
      %run_scoped3A = tpu.sem_alloc : memref<!tpu.dma_semaphore, #tpu.memory_space<semaphore_mem>>
      %dma_start3A_15 = arith.constant 0 : i32
      %dma_start3A_16 = tpu.memref_slice %arg4[%mul3A_2, %dma_start3A_15] : memref<2048x768xf32, #tpu.memory_space<hbm>> -> memref<64x768xf32, #tpu.memory_space<hbm>>
      %dma_start3A_17 = arith.constant 0 : i32
      %dma_start3A_18 = tpu.memref_slice %arg4[%mul3A_2, %dma_start3A_17] : memref<2048x768xf32, #tpu.memory_space<hbm>> -> memref<64x768xf32, #tpu.memory_space<hbm>>
      tpu.enqueue_dma source(%arg8 : memref<64x768xf32, #tpu.memory_space<vmem>>) target(%dma_start3A_18 : memref<64x768xf32, #tpu.memory_space<hbm>>) target_semaphore(%run_scoped3A : memref<!tpu.dma_semaphore, #tpu.memory_space<semaphore_mem>>)
      %dma_wait3A_19 = arith.constant 0 : i32
      %dma_wait3A_20 = tpu.memref_slice %arg4[%mul3A_2, %dma_wait3A_19] : memref<2048x768xf32, #tpu.memory_space<hbm>> -> memref<64x768xf32, #tpu.memory_space<hbm>>
      %dma_wait3A_21 = arith.constant 0 : i32
      %dma_wait3A_22 = tpu.memref_slice %arg4[%mul3A_2, %dma_wait3A_21] : memref<2048x768xf32, #tpu.memory_space<hbm>> -> memref<64x768xf32, #tpu.memory_space<hbm>>
      tpu.wait_dma2 semaphore(%run_scoped3A : memref<!tpu.dma_semaphore, #tpu.memory_space<semaphore_mem>>) src(%arg8 : memref<64x768xf32, #tpu.memory_space<vmem>>) dst(%dma_wait3A_22 : memref<64x768xf32, #tpu.memory_space<hbm>>)
      tpu.yield
    }) : () -> ()
    "tpu.region"() ({
      %run_scoped3A = tpu.sem_alloc : memref<!tpu.dma_semaphore, #tpu.memory_space<semaphore_mem>>
      %dma_start3A_15 = arith.constant 0 : i32
      %dma_start3A_16 = tpu.memref_slice %arg5[%mul3A_2, %dma_start3A_15] : memref<2048x768xf32, #tpu.memory_space<hbm>> -> memref<64x768xf32, #tpu.memory_space<hbm>>
      %dma_start3A_17 = arith.constant 0 : i32
      %dma_start3A_18 = tpu.memref_slice %arg5[%mul3A_2, %dma_start3A_17] : memref<2048x768xf32, #tpu.memory_space<hbm>> -> memref<64x768xf32, #tpu.memory_space<hbm>>
      tpu.enqueue_dma source(%arg9 : memref<64x768xf32, #tpu.memory_space<vmem>>) target(%dma_start3A_18 : memref<64x768xf32, #tpu.memory_space<hbm>>) target_semaphore(%run_scoped3A : memref<!tpu.dma_semaphore, #tpu.memory_space<semaphore_mem>>)
      %dma_wait3A_19 = arith.constant 0 : i32
      %dma_wait3A_20 = tpu.memref_slice %arg5[%mul3A_2, %dma_wait3A_19] : memref<2048x768xf32, #tpu.memory_space<hbm>> -> memref<64x768xf32, #tpu.memory_space<hbm>>
      %dma_wait3A_21 = arith.constant 0 : i32
      %dma_wait3A_22 = tpu.memref_slice %arg5[%mul3A_2, %dma_wait3A_21] : memref<2048x768xf32, #tpu.memory_space<hbm>> -> memref<64x768xf32, #tpu.memory_space<hbm>>
      tpu.wait_dma2 semaphore(%run_scoped3A : memref<!tpu.dma_semaphore, #tpu.memory_space<semaphore_mem>>) src(%arg9 : memref<64x768xf32, #tpu.memory_space<vmem>>) dst(%dma_wait3A_22 : memref<64x768xf32, #tpu.memory_space<hbm>>)
      tpu.yield
    }) : () -> ()
    return
  }
}

module attributes {stable_mosaic.version = 14 : i64} {
  func.func @_gmm_kernel(%arg0: i32, %arg1: memref<24xi32, #tpu.memory_space<smem>>, %arg2: memref<24xi32, #tpu.memory_space<smem>>, %arg3: memref<256x768xf32, #tpu.memory_space<vmem>>, %arg4: memref<1x1536x768xf32, #tpu.memory_space<vmem>>, %arg5: memref<1x1536x768xf32, #tpu.memory_space<vmem>>, %arg6: memref<1x768x1536xf32, #tpu.memory_space<vmem>>, %arg7: memref<256x768xf32, #tpu.memory_space<vmem>>) attributes {dimension_semantics = [#tpu.dimension_semantics<arbitrary>], iteration_bounds = array<i64: 24>, scalar_prefetch = 2 : i64, scratch_operands = 0 : i64, tpu.core_type = #tpu.core_type<tc>, window_params = [{transform_indices = @transform_0, window_bounds = array<i64: 256, 768>}, {transform_indices = @transform_1, window_bounds = array<i64: 1, 1536, 768>}, {transform_indices = @transform_2, window_bounds = array<i64: 1, 1536, 768>}, {transform_indices = @transform_3, window_bounds = array<i64: 1, 768, 1536>}, {transform_indices = @transform_4, window_bounds = array<i64: 256, 768>}]} {
    %get3A = arith.index_cast %arg0 : i32 to index
    %get3A_0 = memref.load %arg2[%get3A] : memref<24xi32, #tpu.memory_space<smem>>
    %eq3A = arith.constant 1 : i32
    %eq3A_1 = arith.cmpi eq, %get3A_0, %eq3A : i32
    %convert_element_type3A = arith.extui %eq3A_1 : i1 to i32
    %cond3A = arith.constant 0 : i32
    %cond3A_2 = arith.cmpi ne, %convert_element_type3A, %cond3A : i32
    scf.if %cond3A_2 {
      %get3A_3 = arith.constant 0 : index
      %get3A_4 = arith.constant 0 : index
      %get3A_5 = vector.load %arg3[%get3A_3, %get3A_4] : memref<256x768xf32, #tpu.memory_space<vmem>>, vector<256x768xf32>
      %get3A_6 = arith.constant 0 : index
      %get3A_7 = arith.constant 0 : index
      %get3A_8 = arith.constant 0 : index
      %get3A_9 = vector.load %arg4[%get3A_6, %get3A_7, %get3A_8] : memref<1x1536x768xf32, #tpu.memory_space<vmem>>, vector<1x1536x768xf32>
      %get3A_10 = vector.shape_cast %get3A_9 : vector<1x1536x768xf32> to vector<1536x768xf32>
      %dot_general3A = arith.constant dense<0.000000e+00> : vector<256x1536xf32>
      %dot_general3A_11 = tpu.matmul %get3A_5, %get3A_10, %dot_general3A {dimension_numbers = #tpu.dot_dimension_numbers<[1], [1], [0], [0], [0, 0, 1, 0], [], []>, transpose_lhs_hint = false} : vector<256x768xf32>, vector<1536x768xf32>, vector<256x1536xf32> -> vector<256x1536xf32>
      %get3A_12 = arith.constant 0 : index
      %get3A_13 = arith.constant 0 : index
      %get3A_14 = arith.constant 0 : index
      %get3A_15 = vector.load %arg5[%get3A_12, %get3A_13, %get3A_14] : memref<1x1536x768xf32, #tpu.memory_space<vmem>>, vector<1x1536x768xf32>
      %get3A_16 = vector.shape_cast %get3A_15 : vector<1x1536x768xf32> to vector<1536x768xf32>
      %dot_general3A_17 = arith.constant dense<0.000000e+00> : vector<256x1536xf32>
      %dot_general3A_18 = tpu.matmul %get3A_5, %get3A_16, %dot_general3A_17 {dimension_numbers = #tpu.dot_dimension_numbers<[1], [1], [0], [0], [0, 0, 1, 0], [], []>, transpose_lhs_hint = false} : vector<256x768xf32>, vector<1536x768xf32>, vector<256x1536xf32> -> vector<256x1536xf32>
      %logistic3A = arith.negf %dot_general3A_11 : vector<256x1536xf32>
      %logistic3A_19 = math.exp %logistic3A : vector<256x1536xf32>
      %logistic3A_20 = arith.constant 1.000000e+00 : f32
      %logistic3A_21 = vector.broadcast %logistic3A_20 : f32 to vector<256x1536xf32>
      %logistic3A_22 = arith.addf %logistic3A_21, %logistic3A_19 : vector<256x1536xf32>
      %logistic3A_23 = arith.divf %logistic3A_21, %logistic3A_22 : vector<256x1536xf32>
      %mul3A = arith.mulf %dot_general3A_11, %logistic3A_23 : vector<256x1536xf32>
      %mul3A_24 = arith.mulf %mul3A, %dot_general3A_18 : vector<256x1536xf32>
      %get3A_25 = arith.constant 0 : index
      %get3A_26 = arith.constant 0 : index
      %get3A_27 = arith.constant 0 : index
      %get3A_28 = vector.load %arg6[%get3A_25, %get3A_26, %get3A_27] : memref<1x768x1536xf32, #tpu.memory_space<vmem>>, vector<1x768x1536xf32>
      %get3A_29 = vector.shape_cast %get3A_28 : vector<1x768x1536xf32> to vector<768x1536xf32>
      %dot_general3A_30 = arith.constant dense<0.000000e+00> : vector<256x768xf32>
      %dot_general3A_31 = tpu.matmul %mul3A_24, %get3A_29, %dot_general3A_30 {dimension_numbers = #tpu.dot_dimension_numbers<[1], [1], [0], [0], [0, 0, 1, 0], [], []>, transpose_lhs_hint = false} : vector<256x1536xf32>, vector<768x1536xf32>, vector<256x768xf32> -> vector<256x768xf32>
      %swap3A = arith.constant 0 : index
      %swap3A_32 = arith.constant 0 : index
      %swap3A_33 = vector.load %arg7[%swap3A, %swap3A_32] : memref<256x768xf32, #tpu.memory_space<vmem>>, vector<256x768xf32>
      tpu.vector_store %arg7[%swap3A, %swap3A_32], %dot_general3A_31 {strides = array<i32>} : memref<256x768xf32, #tpu.memory_space<vmem>>, vector<256x768xf32>,
    } else {
    }
    return
  }
  func.func @transform_0(%arg0: i32, %arg1: memref<24xi32, #tpu.memory_space<smem>>, %arg2: memref<24xi32, #tpu.memory_space<smem>>) -> (i32, i32) {
    %get3A = arith.index_cast %arg0 : i32 to index
    %get3A_0 = memref.load %arg2[%get3A] : memref<24xi32, #tpu.memory_space<smem>>
    %eq3A = arith.constant 1 : i32
    %eq3A_1 = arith.cmpi eq, %get3A_0, %eq3A : i32
    %jit3A = arith.constant 0 : i32
    %select_n3A = arith.select %eq3A_1, %arg0, %jit3A : i32
    %c0_i32 = arith.constant 0 : i32
    %c0_i32_2 = arith.constant 0 : i32
    return %select_n3A, %c0_i32 : i32, i32
  }
  func.func @transform_1(%arg0: i32, %arg1: memref<24xi32, #tpu.memory_space<smem>>, %arg2: memref<24xi32, #tpu.memory_space<smem>>) -> (i32, i32, i32) {
    %get3A = arith.index_cast %arg0 : i32 to index
    %get3A_0 = memref.load %arg1[%get3A] : memref<24xi32, #tpu.memory_space<smem>>
    %c0_i32 = arith.constant 0 : i32
    %c0_i32_1 = arith.constant 0 : i32
    %c0_i32_2 = arith.constant 0 : i32
    return %get3A_0, %c0_i32, %c0_i32_1 : i32, i32, i32
  }
  func.func @transform_2(%arg0: i32, %arg1: memref<24xi32, #tpu.memory_space<smem>>, %arg2: memref<24xi32, #tpu.memory_space<smem>>) -> (i32, i32, i32) {
    %get3A = arith.index_cast %arg0 : i32 to index
    %get3A_0 = memref.load %arg1[%get3A] : memref<24xi32, #tpu.memory_space<smem>>
    %c0_i32 = arith.constant 0 : i32
    %c0_i32_1 = arith.constant 0 : i32
    %c0_i32_2 = arith.constant 0 : i32
    return %get3A_0, %c0_i32, %c0_i32_1 : i32, i32, i32
  }
  func.func @transform_3(%arg0: i32, %arg1: memref<24xi32, #tpu.memory_space<smem>>, %arg2: memref<24xi32, #tpu.memory_space<smem>>) -> (i32, i32, i32) {
    %get3A = arith.index_cast %arg0 : i32 to index
    %get3A_0 = memref.load %arg1[%get3A] : memref<24xi32, #tpu.memory_space<smem>>
    %c0_i32 = arith.constant 0 : i32
    %c0_i32_1 = arith.constant 0 : i32
    %c0_i32_2 = arith.constant 0 : i32
    return %get3A_0, %c0_i32, %c0_i32_1 : i32, i32, i32
  }
  func.func @transform_4(%arg0: i32, %arg1: memref<24xi32, #tpu.memory_space<smem>>, %arg2: memref<24xi32, #tpu.memory_space<smem>>) -> (i32, i32) {
    %get3A = arith.index_cast %arg0 : i32 to index
    %get3A_0 = memref.load %arg2[%get3A] : memref<24xi32, #tpu.memory_space<smem>>
    %eq3A = arith.constant 1 : i32
    %eq3A_1 = arith.cmpi eq, %get3A_0, %eq3A : i32
    %jit3A = arith.constant 23 : i32
    %select_n3A = arith.select %eq3A_1, %arg0, %jit3A : i32
    %c0_i32 = arith.constant 0 : i32
    %c0_i32_2 = arith.constant 0 : i32
    return %select_n3A, %c0_i32 : i32, i32
  }
}

module attributes {stable_mosaic.version = 14 : i64} {
  func.func @_combine_kernel(%arg0: i32, %arg1: memref<1024x768xf32, #tpu.memory_space<vmem>>, %arg2: memref<1024x768xf32, #tpu.memory_space<vmem>>, %arg3: memref<1024x768xf32, #tpu.memory_space<vmem>>, %arg4: memref<1024x2xf32, #tpu.memory_space<vmem>>, %arg5: memref<1024x768xf32, #tpu.memory_space<vmem>>) attributes {dimension_semantics = [#tpu.dimension_semantics<parallel>], iteration_bounds = array<i64: 2>, scalar_prefetch = 0 : i64, scratch_operands = 0 : i64, tpu.core_type = #tpu.core_type<tc>, window_params = [{transform_indices = @transform_0, window_bounds = array<i64: 1024, 768>}, {transform_indices = @transform_1, window_bounds = array<i64: 1024, 768>}, {transform_indices = @transform_2, window_bounds = array<i64: 1024, 768>}, {transform_indices = @transform_3, window_bounds = array<i64: 1024, 2>}, {transform_indices = @transform_4, window_bounds = array<i64: 1024, 768>}]} {
    %get3A = arith.constant 0 : index
    %get3A_0 = arith.constant 0 : index
    %get3A_1 = vector.load %arg4[%get3A, %get3A_0] : memref<1024x2xf32, #tpu.memory_space<vmem>>, vector<1024x2xf32>
    %get3A_2 = arith.constant 0 : index
    %get3A_3 = arith.constant 0 : index
    %get3A_4 = vector.load %arg1[%get3A_2, %get3A_3] : memref<1024x768xf32, #tpu.memory_space<vmem>>, vector<1024x768xf32>
    %slice3A = vector.extract_strided_slice %get3A_1 {offsets = [0, 0], sizes = [1024, 1], strides = [1, 1]} : vector<1024x2xf32> to vector<1024x1xf32>
    %mul3A = vector.broadcast %slice3A : vector<1024x1xf32> to vector<1024x768xf32>
    %mul3A_5 = arith.mulf %get3A_4, %mul3A : vector<1024x768xf32>
    %get3A_6 = arith.constant 0 : index
    %get3A_7 = arith.constant 0 : index
    %get3A_8 = vector.load %arg2[%get3A_6, %get3A_7] : memref<1024x768xf32, #tpu.memory_space<vmem>>, vector<1024x768xf32>
    %slice3A_9 = vector.extract_strided_slice %get3A_1 {offsets = [0, 1], sizes = [1024, 1], strides = [1, 1]} : vector<1024x2xf32> to vector<1024x1xf32>
    %mul3A_10 = vector.broadcast %slice3A_9 : vector<1024x1xf32> to vector<1024x768xf32>
    %mul3A_11 = arith.mulf %get3A_8, %mul3A_10 : vector<1024x768xf32>
    %add3A = arith.addf %mul3A_5, %mul3A_11 : vector<1024x768xf32>
    %get3A_12 = arith.constant 0 : index
    %get3A_13 = arith.constant 0 : index
    %get3A_14 = vector.load %arg3[%get3A_12, %get3A_13] : memref<1024x768xf32, #tpu.memory_space<vmem>>, vector<1024x768xf32>
    %add3A_15 = arith.addf %add3A, %get3A_14 : vector<1024x768xf32>
    %swap3A = arith.constant 0 : index
    %swap3A_16 = arith.constant 0 : index
    %swap3A_17 = vector.load %arg5[%swap3A, %swap3A_16] : memref<1024x768xf32, #tpu.memory_space<vmem>>, vector<1024x768xf32>
    tpu.vector_store %arg5[%swap3A, %swap3A_16], %add3A_15 {strides = array<i32>} : memref<1024x768xf32, #tpu.memory_space<vmem>>, vector<1024x768xf32>,
    return
  }
  func.func @transform_0(%arg0: i32) -> (i32, i32) {
    %c0_i32 = arith.constant 0 : i32
    %c0_i32_0 = arith.constant 0 : i32
    return %arg0, %c0_i32 : i32, i32
  }
  func.func @transform_1(%arg0: i32) -> (i32, i32) {
    %c0_i32 = arith.constant 0 : i32
    %c0_i32_0 = arith.constant 0 : i32
    return %arg0, %c0_i32 : i32, i32
  }
  func.func @transform_2(%arg0: i32) -> (i32, i32) {
    %c0_i32 = arith.constant 0 : i32
    %c0_i32_0 = arith.constant 0 : i32
    return %arg0, %c0_i32 : i32, i32
  }
  func.func @transform_3(%arg0: i32) -> (i32, i32) {
    %c0_i32 = arith.constant 0 : i32
    %c0_i32_0 = arith.constant 0 : i32
    return %arg0, %c0_i32 : i32, i32
  }
  func.func @transform_4(%arg0: i32) -> (i32, i32) {
    %c0_i32 = arith.constant 0 : i32
    %c0_i32_0 = arith.constant 0 : i32
    return %arg0, %c0_i32 : i32, i32
  }
}

module attributes {stable_mosaic.version = 14 : i64} {
  func.func @_shared_kernel(%arg0: i32, %arg1: memref<1024x768xf32, #tpu.memory_space<vmem>>, %arg2: memref<1536x768xf32, #tpu.memory_space<vmem>>, %arg3: memref<1536x768xf32, #tpu.memory_space<vmem>>, %arg4: memref<768x1536xf32, #tpu.memory_space<vmem>>, %arg5: memref<1x1xf32, #tpu.memory_space<vmem>>, %arg6: memref<1024x768xf32, #tpu.memory_space<vmem>>) attributes {dimension_semantics = [#tpu.dimension_semantics<parallel>], iteration_bounds = array<i64: 2>, scalar_prefetch = 0 : i64, scratch_operands = 0 : i64, tpu.core_type = #tpu.core_type<tc>, window_params = [{transform_indices = @transform_0, window_bounds = array<i64: 1024, 768>}, {pipeline_mode = #tpu.pipeline_mode<synchronous>, transform_indices = @transform_1, window_bounds = array<i64: 1536, 768>}, {pipeline_mode = #tpu.pipeline_mode<synchronous>, transform_indices = @transform_2, window_bounds = array<i64: 1536, 768>}, {pipeline_mode = #tpu.pipeline_mode<synchronous>, transform_indices = @transform_3, window_bounds = array<i64: 768, 1536>}, {pipeline_mode = #tpu.pipeline_mode<synchronous>, transform_indices = @transform_4, window_bounds = array<i64: 1, 1>}, {transform_indices = @transform_5, window_bounds = array<i64: 1024, 768>}]} {
    %get3A = arith.constant 0 : index
    %get3A_0 = arith.constant 0 : index
    %get3A_1 = vector.load %arg1[%get3A, %get3A_0] : memref<1024x768xf32, #tpu.memory_space<vmem>>, vector<1024x768xf32>
    %get3A_2 = arith.constant 0 : index
    %get3A_3 = arith.constant 0 : index
    %get3A_4 = vector.load %arg2[%get3A_2, %get3A_3] : memref<1536x768xf32, #tpu.memory_space<vmem>>, vector<1536x768xf32>
    %dot_general3A = arith.constant dense<0.000000e+00> : vector<1024x1536xf32>
    %dot_general3A_5 = tpu.matmul %get3A_1, %get3A_4, %dot_general3A {dimension_numbers = #tpu.dot_dimension_numbers<[1], [1], [0], [0], [0, 0, 1, 0], [], []>, transpose_lhs_hint = false} : vector<1024x768xf32>, vector<1536x768xf32>, vector<1024x1536xf32> -> vector<1024x1536xf32>
    %get3A_6 = arith.constant 0 : index
    %get3A_7 = arith.constant 0 : index
    %get3A_8 = vector.load %arg3[%get3A_6, %get3A_7] : memref<1536x768xf32, #tpu.memory_space<vmem>>, vector<1536x768xf32>
    %dot_general3A_9 = arith.constant dense<0.000000e+00> : vector<1024x1536xf32>
    %dot_general3A_10 = tpu.matmul %get3A_1, %get3A_8, %dot_general3A_9 {dimension_numbers = #tpu.dot_dimension_numbers<[1], [1], [0], [0], [0, 0, 1, 0], [], []>, transpose_lhs_hint = false} : vector<1024x768xf32>, vector<1536x768xf32>, vector<1024x1536xf32> -> vector<1024x1536xf32>
    %logistic3A = arith.negf %dot_general3A_5 : vector<1024x1536xf32>
    %logistic3A_11 = math.exp %logistic3A : vector<1024x1536xf32>
    %logistic3A_12 = arith.constant 1.000000e+00 : f32
    %logistic3A_13 = vector.broadcast %logistic3A_12 : f32 to vector<1024x1536xf32>
    %logistic3A_14 = arith.addf %logistic3A_13, %logistic3A_11 : vector<1024x1536xf32>
    %logistic3A_15 = arith.divf %logistic3A_13, %logistic3A_14 : vector<1024x1536xf32>
    %mul3A = arith.mulf %dot_general3A_5, %logistic3A_15 : vector<1024x1536xf32>
    %mul3A_16 = arith.mulf %mul3A, %dot_general3A_10 : vector<1024x1536xf32>
    %get3A_17 = arith.constant 0 : index
    %get3A_18 = arith.constant 0 : index
    %get3A_19 = vector.load %arg4[%get3A_17, %get3A_18] : memref<768x1536xf32, #tpu.memory_space<vmem>>, vector<768x1536xf32>
    %dot_general3A_20 = arith.constant dense<0.000000e+00> : vector<1024x768xf32>
    %dot_general3A_21 = tpu.matmul %mul3A_16, %get3A_19, %dot_general3A_20 {dimension_numbers = #tpu.dot_dimension_numbers<[1], [1], [0], [0], [0, 0, 1, 0], [], []>, transpose_lhs_hint = false} : vector<1024x1536xf32>, vector<768x1536xf32>, vector<1024x768xf32> -> vector<1024x768xf32>
    %get3A_22 = arith.constant 0 : index
    %get3A_23 = arith.constant 0 : index
    %get3A_24 = vector.load %arg5[%get3A_22, %get3A_23] : memref<1x1xf32, #tpu.memory_space<vmem>>, vector<1x1xf32>
    %get3A_25 = vector.extract %get3A_24[0, 0] : f32 from vector<1x1xf32>
    %logistic3A_26 = arith.negf %get3A_25 : f32
    %logistic3A_27 = math.exp %logistic3A_26 : f32
    %logistic3A_28 = arith.constant 1.000000e+00 : f32
    %logistic3A_29 = arith.addf %logistic3A_28, %logistic3A_27 : f32
    %logistic3A_30 = arith.divf %logistic3A_28, %logistic3A_29 : f32
    %mul3A_31 = vector.broadcast %logistic3A_30 : f32 to vector<1024x768xf32>
    %mul3A_32 = arith.mulf %dot_general3A_21, %mul3A_31 : vector<1024x768xf32>
    %swap3A = arith.constant 0 : index
    %swap3A_33 = arith.constant 0 : index
    %swap3A_34 = vector.load %arg6[%swap3A, %swap3A_33] : memref<1024x768xf32, #tpu.memory_space<vmem>>, vector<1024x768xf32>
    tpu.vector_store %arg6[%swap3A, %swap3A_33], %mul3A_32 {strides = array<i32>} : memref<1024x768xf32, #tpu.memory_space<vmem>>, vector<1024x768xf32>,
    return
  }
  func.func @transform_0(%arg0: i32) -> (i32, i32) {
    %c0_i32 = arith.constant 0 : i32
    %c0_i32_0 = arith.constant 0 : i32
    return %arg0, %c0_i32 : i32, i32
  }
  func.func @transform_1(%arg0: i32) -> (i32, i32) {
    %c0_i32 = arith.constant 0 : i32
    %c0_i32_0 = arith.constant 0 : i32
    %c0_i32_1 = arith.constant 0 : i32
    return %c0_i32, %c0_i32_0 : i32, i32
  }
  func.func @transform_2(%arg0: i32) -> (i32, i32) {
    %c0_i32 = arith.constant 0 : i32
    %c0_i32_0 = arith.constant 0 : i32
    %c0_i32_1 = arith.constant 0 : i32
    return %c0_i32, %c0_i32_0 : i32, i32
  }
  func.func @transform_3(%arg0: i32) -> (i32, i32) {
    %c0_i32 = arith.constant 0 : i32
    %c0_i32_0 = arith.constant 0 : i32
    %c0_i32_1 = arith.constant 0 : i32
    return %c0_i32, %c0_i32_0 : i32, i32
  }
  func.func @transform_4(%arg0: i32) -> (i32, i32) {
    %c0_i32 = arith.constant 0 : i32
    %c0_i32_0 = arith.constant 0 : i32
    %c0_i32_1 = arith.constant 0 : i32
    return %c0_i32, %c0_i32_0 : i32, i32
  }
  func.func @transform_5(%arg0: i32) -> (i32, i32) {
    %c0_i32 = arith.constant 0 : i32
    %c0_i32_0 = arith.constant 0 : i32
    return %arg0, %c0_i32 : i32, i32
  }
}

module attributes {stable_mosaic.version = 14 : i64} {
  func.func @_router_kernel(%arg0: memref<2048x768xf32, #tpu.memory_space<vmem>>, %arg1: memref<8x768xf32, #tpu.memory_space<vmem>>, %arg2: memref<1x4096xi32, #tpu.memory_space<vmem>>, %arg3: memref<2048x2xf32, #tpu.memory_space<vmem>>, %arg4: memref<1x24xi32, #tpu.memory_space<vmem>>, %arg5: memref<1x24xi32, #tpu.memory_space<vmem>>, %arg6: memref<1x1xf32, #tpu.memory_space<vmem>>) attributes {dimension_semantics = [], scalar_prefetch = 0 : i64, scratch_operands = 0 : i64, tpu.core_type = #tpu.core_type<tc>} {
    %get3A = arith.constant 0 : index
    %get3A_0 = arith.constant 0 : index
    %get3A_1 = vector.load %arg0[%get3A, %get3A_0] : memref<2048x768xf32, #tpu.memory_space<vmem>>, vector<2048x768xf32>
    %get3A_2 = arith.constant 0 : index
    %get3A_3 = arith.constant 0 : index
    %get3A_4 = vector.load %arg1[%get3A_2, %get3A_3] : memref<8x768xf32, #tpu.memory_space<vmem>>, vector<8x768xf32>
    %dot_general3A = arith.constant dense<0.000000e+00> : vector<2048x8xf32>
    %dot_general3A_5 = tpu.matmul %get3A_1, %get3A_4, %dot_general3A {dimension_numbers = #tpu.dot_dimension_numbers<[1], [1], [0], [0], [0, 0, 1, 0], [], []>, transpose_lhs_hint = false} : vector<2048x768xf32>, vector<8x768xf32>, vector<2048x8xf32> -> vector<2048x8xf32>
    %reduce_max3A = arith.constant dense<0xFF800000> : vector<2048xf32>
    %reduce_max3A_6 = vector.multi_reduction <maximumf>, %dot_general3A_5, %reduce_max3A [1] : vector<2048x8xf32> to vector<2048xf32>
    %broadcast_in_dim3A = vector.shape_cast %reduce_max3A_6 : vector<2048xf32> to vector<2048x1xf32>
    %sub3A = vector.broadcast %broadcast_in_dim3A : vector<2048x1xf32> to vector<2048x8xf32>
    %sub3A_7 = arith.subf %dot_general3A_5, %sub3A : vector<2048x8xf32>
    %exp3A = math.exp %sub3A_7 : vector<2048x8xf32>
    %reduce_sum3A = arith.constant dense<0.000000e+00> : vector<2048xf32>
    %reduce_sum3A_8 = vector.multi_reduction <add>, %exp3A, %reduce_sum3A [1] : vector<2048x8xf32> to vector<2048xf32>
    %broadcast_in_dim3A_9 = vector.shape_cast %reduce_sum3A_8 : vector<2048xf32> to vector<2048x1xf32>
    %div3A = vector.broadcast %broadcast_in_dim3A_9 : vector<2048x1xf32> to vector<2048x8xf32>
    %div3A_10 = arith.divf %exp3A, %div3A : vector<2048x8xf32>
    %argmax3A = tpu.reduce_index %div3A_10 {axis = 1 : i32, kind = #tpu.reduction_kind<arg_max>} : vector<2048x8xf32> -> vector<2048xi32>
    %iota3A = tpu.iota {dimensions = array<i32: 1>} : vector<2048x8xi32>
    %broadcast_in_dim3A_11 = vector.shape_cast %argmax3A : vector<2048xi32> to vector<2048x1xi32>
    %eq3A = vector.broadcast %broadcast_in_dim3A_11 : vector<2048x1xi32> to vector<2048x8xi32>
    %eq3A_12 = arith.cmpi eq, %iota3A, %eq3A : vector<2048x8xi32>
    %convert_element_type3A = arith.extui %eq3A_12 : vector<2048x8xi1> to vector<2048x8xi32>
    %convert_element_type3A_13 = arith.sitofp %convert_element_type3A : vector<2048x8xi32> to vector<2048x8xf32>
    %mul3A = arith.mulf %div3A_10, %convert_element_type3A_13 : vector<2048x8xf32>
    %reduce_sum3A_14 = arith.constant dense<0.000000e+00> : vector<2048xf32>
    %reduce_sum3A_15 = vector.multi_reduction <add>, %mul3A, %reduce_sum3A_14 [1] : vector<2048x8xf32> to vector<2048xf32>
    %broadcast_in_dim3A_16 = vector.shape_cast %reduce_sum3A_15 : vector<2048xf32> to vector<2048x1xf32>
    %broadcast_in_dim3A_17 = vector.shape_cast %argmax3A : vector<2048xi32> to vector<2048x1xi32>
    %eq3A_18 = vector.broadcast %broadcast_in_dim3A_17 : vector<2048x1xi32> to vector<2048x8xi32>
    %eq3A_19 = arith.cmpi eq, %iota3A, %eq3A_18 : vector<2048x8xi32>
    %jit3A = arith.constant 0xFF800000 : f32
    %broadcast_in_dim3A_20 = vector.broadcast %jit3A : f32 to vector<2048x8xf32>
    %select_n3A = arith.select %eq3A_19, %broadcast_in_dim3A_20, %div3A_10 : vector<2048x8xi1>, vector<2048x8xf32>
    %argmax3A_21 = tpu.reduce_index %select_n3A {axis = 1 : i32, kind = #tpu.reduction_kind<arg_max>} : vector<2048x8xf32> -> vector<2048xi32>
    %broadcast_in_dim3A_22 = vector.shape_cast %argmax3A_21 : vector<2048xi32> to vector<2048x1xi32>
    %eq3A_23 = vector.broadcast %broadcast_in_dim3A_22 : vector<2048x1xi32> to vector<2048x8xi32>
    %eq3A_24 = arith.cmpi eq, %iota3A, %eq3A_23 : vector<2048x8xi32>
    %convert_element_type3A_25 = arith.extui %eq3A_24 : vector<2048x8xi1> to vector<2048x8xi32>
    %convert_element_type3A_26 = arith.sitofp %convert_element_type3A_25 : vector<2048x8xi32> to vector<2048x8xf32>
    %mul3A_27 = arith.mulf %div3A_10, %convert_element_type3A_26 : vector<2048x8xf32>
    %reduce_sum3A_28 = arith.constant dense<0.000000e+00> : vector<2048xf32>
    %reduce_sum3A_29 = vector.multi_reduction <add>, %mul3A_27, %reduce_sum3A_28 [1] : vector<2048x8xf32> to vector<2048xf32>
    %broadcast_in_dim3A_30 = vector.shape_cast %reduce_sum3A_29 : vector<2048xf32> to vector<2048x1xf32>
    %add3A = arith.addf %broadcast_in_dim3A_16, %broadcast_in_dim3A_30 : vector<2048x1xf32>
    %add3A_31 = arith.constant 9.99999971E-10 : f32
    %add3A_32 = vector.broadcast %add3A_31 : f32 to vector<2048x1xf32>
    %add3A_33 = arith.addf %add3A, %add3A_32 : vector<2048x1xf32>
    %div3A_34 = arith.divf %broadcast_in_dim3A_16, %add3A_33 : vector<2048x1xf32>
    %div3A_35 = arith.divf %broadcast_in_dim3A_30, %add3A_33 : vector<2048x1xf32>
    %concatenate3A = tpu.concatenate %div3A_34, %div3A_35 in 1 : vector<2048x1xf32>, vector<2048x1xf32> -> vector<2048x2xf32>
    %swap3A = arith.constant 0 : index
    %swap3A_36 = arith.constant 0 : index
    %swap3A_37 = vector.load %arg3[%swap3A, %swap3A_36] : memref<2048x2xf32, #tpu.memory_space<vmem>>, vector<2048x2xf32>
    tpu.vector_store %arg3[%swap3A, %swap3A_36], %concatenate3A {strides = array<i32>} : memref<2048x2xf32, #tpu.memory_space<vmem>>, vector<2048x2xf32>,
    %iota3A_38 = tpu.iota {dimensions = array<i32: 0>} : vector<8x2048xi32>
    %broadcast_in_dim3A_39 = vector.shape_cast %argmax3A : vector<2048xi32> to vector<1x2048xi32>
    %eq3A_40 = vector.broadcast %broadcast_in_dim3A_39 : vector<1x2048xi32> to vector<8x2048xi32>
    %eq3A_41 = arith.cmpi eq, %iota3A_38, %eq3A_40 : vector<8x2048xi32>
    %convert_element_type3A_42 = arith.extui %eq3A_41 : vector<8x2048xi1> to vector<8x2048xi32>
    %convert_element_type3A_43 = arith.sitofp %convert_element_type3A_42 : vector<8x2048xi32> to vector<8x2048xf32>
    %broadcast_in_dim3A_44 = vector.shape_cast %argmax3A_21 : vector<2048xi32> to vector<1x2048xi32>
    %eq3A_45 = vector.broadcast %broadcast_in_dim3A_44 : vector<1x2048xi32> to vector<8x2048xi32>
    %eq3A_46 = arith.cmpi eq, %iota3A_38, %eq3A_45 : vector<8x2048xi32>
    %convert_element_type3A_47 = arith.extui %eq3A_46 : vector<8x2048xi1> to vector<8x2048xi32>
    %convert_element_type3A_48 = arith.sitofp %convert_element_type3A_47 : vector<8x2048xi32> to vector<8x2048xf32>
    %broadcast_in_dim3A_49 = arith.constant 0.000000e+00 : f32
    %broadcast_in_dim3A_50 = vector.broadcast %broadcast_in_dim3A_49 : f32 to vector<8x1xf32>
    %slice3A = vector.extract_strided_slice %convert_element_type3A_43 {offsets = [0, 0], sizes = [8, 2047], strides = [1, 1]} : vector<8x2048xf32> to vector<8x2047xf32>
    %concatenate3A_51 = tpu.concatenate %broadcast_in_dim3A_50, %slice3A in 1 : vector<8x1xf32>, vector<8x2047xf32> -> vector<8x2048xf32>
    %add3A_52 = arith.addf %convert_element_type3A_43, %concatenate3A_51 : vector<8x2048xf32>
    %broadcast_in_dim3A_53 = arith.constant 0.000000e+00 : f32
    %broadcast_in_dim3A_54 = vector.broadcast %broadcast_in_dim3A_53 : f32 to vector<8x2xf32>
    %slice3A_55 = vector.extract_strided_slice %add3A_52 {offsets = [0, 0], sizes = [8, 2046], strides = [1, 1]} : vector<8x2048xf32> to vector<8x2046xf32>
    %concatenate3A_56 = tpu.concatenate %broadcast_in_dim3A_54, %slice3A_55 in 1 : vector<8x2xf32>, vector<8x2046xf32> -> vector<8x2048xf32>
    %add3A_57 = arith.addf %add3A_52, %concatenate3A_56 : vector<8x2048xf32>
    %broadcast_in_dim3A_58 = arith.constant 0.000000e+00 : f32
    %broadcast_in_dim3A_59 = vector.broadcast %broadcast_in_dim3A_58 : f32 to vector<8x4xf32>
    %slice3A_60 = vector.extract_strided_slice %add3A_57 {offsets = [0, 0], sizes = [8, 2044], strides = [1, 1]} : vector<8x2048xf32> to vector<8x2044xf32>
    %concatenate3A_61 = tpu.concatenate %broadcast_in_dim3A_59, %slice3A_60 in 1 : vector<8x4xf32>, vector<8x2044xf32> -> vector<8x2048xf32>
    %add3A_62 = arith.addf %add3A_57, %concatenate3A_61 : vector<8x2048xf32>
    %broadcast_in_dim3A_63 = arith.constant 0.000000e+00 : f32
    %broadcast_in_dim3A_64 = vector.broadcast %broadcast_in_dim3A_63 : f32 to vector<8x8xf32>
    %slice3A_65 = vector.extract_strided_slice %add3A_62 {offsets = [0, 0], sizes = [8, 2040], strides = [1, 1]} : vector<8x2048xf32> to vector<8x2040xf32>
    %concatenate3A_66 = tpu.concatenate %broadcast_in_dim3A_64, %slice3A_65 in 1 : vector<8x8xf32>, vector<8x2040xf32> -> vector<8x2048xf32>
    %add3A_67 = arith.addf %add3A_62, %concatenate3A_66 : vector<8x2048xf32>
    %broadcast_in_dim3A_68 = arith.constant 0.000000e+00 : f32
    %broadcast_in_dim3A_69 = vector.broadcast %broadcast_in_dim3A_68 : f32 to vector<8x16xf32>
    %slice3A_70 = vector.extract_strided_slice %add3A_67 {offsets = [0, 0], sizes = [8, 2032], strides = [1, 1]} : vector<8x2048xf32> to vector<8x2032xf32>
    %concatenate3A_71 = tpu.concatenate %broadcast_in_dim3A_69, %slice3A_70 in 1 : vector<8x16xf32>, vector<8x2032xf32> -> vector<8x2048xf32>
    %add3A_72 = arith.addf %add3A_67, %concatenate3A_71 : vector<8x2048xf32>
    %broadcast_in_dim3A_73 = arith.constant 0.000000e+00 : f32
    %broadcast_in_dim3A_74 = vector.broadcast %broadcast_in_dim3A_73 : f32 to vector<8x32xf32>
    %slice3A_75 = vector.extract_strided_slice %add3A_72 {offsets = [0, 0], sizes = [8, 2016], strides = [1, 1]} : vector<8x2048xf32> to vector<8x2016xf32>
    %concatenate3A_76 = tpu.concatenate %broadcast_in_dim3A_74, %slice3A_75 in 1 : vector<8x32xf32>, vector<8x2016xf32> -> vector<8x2048xf32>
    %add3A_77 = arith.addf %add3A_72, %concatenate3A_76 : vector<8x2048xf32>
    %broadcast_in_dim3A_78 = arith.constant 0.000000e+00 : f32
    %broadcast_in_dim3A_79 = vector.broadcast %broadcast_in_dim3A_78 : f32 to vector<8x64xf32>
    %slice3A_80 = vector.extract_strided_slice %add3A_77 {offsets = [0, 0], sizes = [8, 1984], strides = [1, 1]} : vector<8x2048xf32> to vector<8x1984xf32>
    %concatenate3A_81 = tpu.concatenate %broadcast_in_dim3A_79, %slice3A_80 in 1 : vector<8x64xf32>, vector<8x1984xf32> -> vector<8x2048xf32>
    %add3A_82 = arith.addf %add3A_77, %concatenate3A_81 : vector<8x2048xf32>
    %broadcast_in_dim3A_83 = arith.constant 0.000000e+00 : f32
    %broadcast_in_dim3A_84 = vector.broadcast %broadcast_in_dim3A_83 : f32 to vector<8x128xf32>
    %slice3A_85 = vector.extract_strided_slice %add3A_82 {offsets = [0, 0], sizes = [8, 1920], strides = [1, 1]} : vector<8x2048xf32> to vector<8x1920xf32>
    %concatenate3A_86 = tpu.concatenate %broadcast_in_dim3A_84, %slice3A_85 in 1 : vector<8x128xf32>, vector<8x1920xf32> -> vector<8x2048xf32>
    %add3A_87 = arith.addf %add3A_82, %concatenate3A_86 : vector<8x2048xf32>
    %broadcast_in_dim3A_88 = arith.constant 0.000000e+00 : f32
    %broadcast_in_dim3A_89 = vector.broadcast %broadcast_in_dim3A_88 : f32 to vector<8x256xf32>
    %slice3A_90 = vector.extract_strided_slice %add3A_87 {offsets = [0, 0], sizes = [8, 1792], strides = [1, 1]} : vector<8x2048xf32> to vector<8x1792xf32>
    %concatenate3A_91 = tpu.concatenate %broadcast_in_dim3A_89, %slice3A_90 in 1 : vector<8x256xf32>, vector<8x1792xf32> -> vector<8x2048xf32>
    %add3A_92 = arith.addf %add3A_87, %concatenate3A_91 : vector<8x2048xf32>
    %broadcast_in_dim3A_93 = arith.constant 0.000000e+00 : f32
    %broadcast_in_dim3A_94 = vector.broadcast %broadcast_in_dim3A_93 : f32 to vector<8x512xf32>
    %slice3A_95 = vector.extract_strided_slice %add3A_92 {offsets = [0, 0], sizes = [8, 1536], strides = [1, 1]} : vector<8x2048xf32> to vector<8x1536xf32>
    %concatenate3A_96 = tpu.concatenate %broadcast_in_dim3A_94, %slice3A_95 in 1 : vector<8x512xf32>, vector<8x1536xf32> -> vector<8x2048xf32>
    %add3A_97 = arith.addf %add3A_92, %concatenate3A_96 : vector<8x2048xf32>
    %broadcast_in_dim3A_98 = arith.constant 0.000000e+00 : f32
    %broadcast_in_dim3A_99 = vector.broadcast %broadcast_in_dim3A_98 : f32 to vector<8x1024xf32>
    %slice3A_100 = vector.extract_strided_slice %add3A_97 {offsets = [0, 0], sizes = [8, 1024], strides = [1, 1]} : vector<8x2048xf32> to vector<8x1024xf32>
    %concatenate3A_101 = tpu.concatenate %broadcast_in_dim3A_99, %slice3A_100 in 1 : vector<8x1024xf32>, vector<8x1024xf32> -> vector<8x2048xf32>
    %add3A_102 = arith.addf %add3A_97, %concatenate3A_101 : vector<8x2048xf32>
    %sub3A_103 = arith.subf %add3A_102, %convert_element_type3A_43 : vector<8x2048xf32>
    %broadcast_in_dim3A_104 = arith.constant 0.000000e+00 : f32
    %broadcast_in_dim3A_105 = vector.broadcast %broadcast_in_dim3A_104 : f32 to vector<8x1xf32>
    %slice3A_106 = vector.extract_strided_slice %convert_element_type3A_48 {offsets = [0, 0], sizes = [8, 2047], strides = [1, 1]} : vector<8x2048xf32> to vector<8x2047xf32>
    %concatenate3A_107 = tpu.concatenate %broadcast_in_dim3A_105, %slice3A_106 in 1 : vector<8x1xf32>, vector<8x2047xf32> -> vector<8x2048xf32>
    %add3A_108 = arith.addf %convert_element_type3A_48, %concatenate3A_107 : vector<8x2048xf32>
    %broadcast_in_dim3A_109 = arith.constant 0.000000e+00 : f32
    %broadcast_in_dim3A_110 = vector.broadcast %broadcast_in_dim3A_109 : f32 to vector<8x2xf32>
    %slice3A_111 = vector.extract_strided_slice %add3A_108 {offsets = [0, 0], sizes = [8, 2046], strides = [1, 1]} : vector<8x2048xf32> to vector<8x2046xf32>
    %concatenate3A_112 = tpu.concatenate %broadcast_in_dim3A_110, %slice3A_111 in 1 : vector<8x2xf32>, vector<8x2046xf32> -> vector<8x2048xf32>
    %add3A_113 = arith.addf %add3A_108, %concatenate3A_112 : vector<8x2048xf32>
    %broadcast_in_dim3A_114 = arith.constant 0.000000e+00 : f32
    %broadcast_in_dim3A_115 = vector.broadcast %broadcast_in_dim3A_114 : f32 to vector<8x4xf32>
    %slice3A_116 = vector.extract_strided_slice %add3A_113 {offsets = [0, 0], sizes = [8, 2044], strides = [1, 1]} : vector<8x2048xf32> to vector<8x2044xf32>
    %concatenate3A_117 = tpu.concatenate %broadcast_in_dim3A_115, %slice3A_116 in 1 : vector<8x4xf32>, vector<8x2044xf32> -> vector<8x2048xf32>
    %add3A_118 = arith.addf %add3A_113, %concatenate3A_117 : vector<8x2048xf32>
    %broadcast_in_dim3A_119 = arith.constant 0.000000e+00 : f32
    %broadcast_in_dim3A_120 = vector.broadcast %broadcast_in_dim3A_119 : f32 to vector<8x8xf32>
    %slice3A_121 = vector.extract_strided_slice %add3A_118 {offsets = [0, 0], sizes = [8, 2040], strides = [1, 1]} : vector<8x2048xf32> to vector<8x2040xf32>
    %concatenate3A_122 = tpu.concatenate %broadcast_in_dim3A_120, %slice3A_121 in 1 : vector<8x8xf32>, vector<8x2040xf32> -> vector<8x2048xf32>
    %add3A_123 = arith.addf %add3A_118, %concatenate3A_122 : vector<8x2048xf32>
    %broadcast_in_dim3A_124 = arith.constant 0.000000e+00 : f32
    %broadcast_in_dim3A_125 = vector.broadcast %broadcast_in_dim3A_124 : f32 to vector<8x16xf32>
    %slice3A_126 = vector.extract_strided_slice %add3A_123 {offsets = [0, 0], sizes = [8, 2032], strides = [1, 1]} : vector<8x2048xf32> to vector<8x2032xf32>
    %concatenate3A_127 = tpu.concatenate %broadcast_in_dim3A_125, %slice3A_126 in 1 : vector<8x16xf32>, vector<8x2032xf32> -> vector<8x2048xf32>
    %add3A_128 = arith.addf %add3A_123, %concatenate3A_127 : vector<8x2048xf32>
    %broadcast_in_dim3A_129 = arith.constant 0.000000e+00 : f32
    %broadcast_in_dim3A_130 = vector.broadcast %broadcast_in_dim3A_129 : f32 to vector<8x32xf32>
    %slice3A_131 = vector.extract_strided_slice %add3A_128 {offsets = [0, 0], sizes = [8, 2016], strides = [1, 1]} : vector<8x2048xf32> to vector<8x2016xf32>
    %concatenate3A_132 = tpu.concatenate %broadcast_in_dim3A_130, %slice3A_131 in 1 : vector<8x32xf32>, vector<8x2016xf32> -> vector<8x2048xf32>
    %add3A_133 = arith.addf %add3A_128, %concatenate3A_132 : vector<8x2048xf32>
    %broadcast_in_dim3A_134 = arith.constant 0.000000e+00 : f32
    %broadcast_in_dim3A_135 = vector.broadcast %broadcast_in_dim3A_134 : f32 to vector<8x64xf32>
    %slice3A_136 = vector.extract_strided_slice %add3A_133 {offsets = [0, 0], sizes = [8, 1984], strides = [1, 1]} : vector<8x2048xf32> to vector<8x1984xf32>
    %concatenate3A_137 = tpu.concatenate %broadcast_in_dim3A_135, %slice3A_136 in 1 : vector<8x64xf32>, vector<8x1984xf32> -> vector<8x2048xf32>
    %add3A_138 = arith.addf %add3A_133, %concatenate3A_137 : vector<8x2048xf32>
    %broadcast_in_dim3A_139 = arith.constant 0.000000e+00 : f32
    %broadcast_in_dim3A_140 = vector.broadcast %broadcast_in_dim3A_139 : f32 to vector<8x128xf32>
    %slice3A_141 = vector.extract_strided_slice %add3A_138 {offsets = [0, 0], sizes = [8, 1920], strides = [1, 1]} : vector<8x2048xf32> to vector<8x1920xf32>
    %concatenate3A_142 = tpu.concatenate %broadcast_in_dim3A_140, %slice3A_141 in 1 : vector<8x128xf32>, vector<8x1920xf32> -> vector<8x2048xf32>
    %add3A_143 = arith.addf %add3A_138, %concatenate3A_142 : vector<8x2048xf32>
    %broadcast_in_dim3A_144 = arith.constant 0.000000e+00 : f32
    %broadcast_in_dim3A_145 = vector.broadcast %broadcast_in_dim3A_144 : f32 to vector<8x256xf32>
    %slice3A_146 = vector.extract_strided_slice %add3A_143 {offsets = [0, 0], sizes = [8, 1792], strides = [1, 1]} : vector<8x2048xf32> to vector<8x1792xf32>
    %concatenate3A_147 = tpu.concatenate %broadcast_in_dim3A_145, %slice3A_146 in 1 : vector<8x256xf32>, vector<8x1792xf32> -> vector<8x2048xf32>
    %add3A_148 = arith.addf %add3A_143, %concatenate3A_147 : vector<8x2048xf32>
    %broadcast_in_dim3A_149 = arith.constant 0.000000e+00 : f32
    %broadcast_in_dim3A_150 = vector.broadcast %broadcast_in_dim3A_149 : f32 to vector<8x512xf32>
    %slice3A_151 = vector.extract_strided_slice %add3A_148 {offsets = [0, 0], sizes = [8, 1536], strides = [1, 1]} : vector<8x2048xf32> to vector<8x1536xf32>
    %concatenate3A_152 = tpu.concatenate %broadcast_in_dim3A_150, %slice3A_151 in 1 : vector<8x512xf32>, vector<8x1536xf32> -> vector<8x2048xf32>
    %add3A_153 = arith.addf %add3A_148, %concatenate3A_152 : vector<8x2048xf32>
    %broadcast_in_dim3A_154 = arith.constant 0.000000e+00 : f32
    %broadcast_in_dim3A_155 = vector.broadcast %broadcast_in_dim3A_154 : f32 to vector<8x1024xf32>
    %slice3A_156 = vector.extract_strided_slice %add3A_153 {offsets = [0, 0], sizes = [8, 1024], strides = [1, 1]} : vector<8x2048xf32> to vector<8x1024xf32>
    %concatenate3A_157 = tpu.concatenate %broadcast_in_dim3A_155, %slice3A_156 in 1 : vector<8x1024xf32>, vector<8x1024xf32> -> vector<8x2048xf32>
    %add3A_158 = arith.addf %add3A_153, %concatenate3A_157 : vector<8x2048xf32>
    %sub3A_159 = arith.subf %add3A_158, %convert_element_type3A_48 : vector<8x2048xf32>
    %reduce_sum3A_160 = arith.constant dense<0.000000e+00> : vector<8xf32>
    %reduce_sum3A_161 = vector.multi_reduction <add>, %convert_element_type3A_43, %reduce_sum3A_160 [1] : vector<8x2048xf32> to vector<8xf32>
    %broadcast_in_dim3A_162 = vector.shape_cast %reduce_sum3A_161 : vector<8xf32> to vector<8x1xf32>
    %reduce_sum3A_163 = arith.constant dense<0.000000e+00> : vector<8xf32>
    %reduce_sum3A_164 = vector.multi_reduction <add>, %convert_element_type3A_48, %reduce_sum3A_163 [1] : vector<8x2048xf32> to vector<8xf32>
    %broadcast_in_dim3A_165 = vector.shape_cast %reduce_sum3A_164 : vector<8xf32> to vector<8x1xf32>
    %add3A_166 = arith.addf %broadcast_in_dim3A_162, %broadcast_in_dim3A_165 : vector<8x1xf32>
    %div3A_167 = arith.constant 2.560000e+02 : f32
    %div3A_168 = vector.broadcast %div3A_167 : f32 to vector<8x1xf32>
    %div3A_169 = arith.divf %add3A_166, %div3A_168 : vector<8x1xf32>
    %ceil3A = math.ceil %div3A_169 : vector<8x1xf32>
    %mul3A_170 = arith.constant 2.560000e+02 : f32
    %mul3A_171 = vector.broadcast %mul3A_170 : f32 to vector<8x1xf32>
    %mul3A_172 = arith.mulf %ceil3A, %mul3A_171 : vector<8x1xf32>
    %broadcast_in_dim3A_173 = arith.constant 0.000000e+00 : f32
    %broadcast_in_dim3A_174 = vector.broadcast %broadcast_in_dim3A_173 : f32 to vector<1x1xf32>
    %slice3A_175 = vector.extract_strided_slice %mul3A_172 {offsets = [0, 0], sizes = [7, 1], strides = [1, 1]} : vector<8x1xf32> to vector<7x1xf32>
    %concatenate3A_176 = tpu.concatenate %broadcast_in_dim3A_174, %slice3A_175 in 0 : vector<1x1xf32>, vector<7x1xf32> -> vector<8x1xf32>
    %add3A_177 = arith.addf %mul3A_172, %concatenate3A_176 : vector<8x1xf32>
    %broadcast_in_dim3A_178 = arith.constant 0.000000e+00 : f32
    %broadcast_in_dim3A_179 = vector.broadcast %broadcast_in_dim3A_178 : f32 to vector<2x1xf32>
    %slice3A_180 = vector.extract_strided_slice %add3A_177 {offsets = [0, 0], sizes = [6, 1], strides = [1, 1]} : vector<8x1xf32> to vector<6x1xf32>
    %concatenate3A_181 = tpu.concatenate %broadcast_in_dim3A_179, %slice3A_180 in 0 : vector<2x1xf32>, vector<6x1xf32> -> vector<8x1xf32>
    %add3A_182 = arith.addf %add3A_177, %concatenate3A_181 : vector<8x1xf32>
    %broadcast_in_dim3A_183 = arith.constant 0.000000e+00 : f32
    %broadcast_in_dim3A_184 = vector.broadcast %broadcast_in_dim3A_183 : f32 to vector<4x1xf32>
    %slice3A_185 = vector.extract_strided_slice %add3A_182 {offsets = [0, 0], sizes = [4, 1], strides = [1, 1]} : vector<8x1xf32> to vector<4x1xf32>
    %concatenate3A_186 = tpu.concatenate %broadcast_in_dim3A_184, %slice3A_185 in 0 : vector<4x1xf32>, vector<4x1xf32> -> vector<8x1xf32>
    %add3A_187 = arith.addf %add3A_182, %concatenate3A_186 : vector<8x1xf32>
    %sub3A_188 = arith.subf %add3A_187, %mul3A_172 : vector<8x1xf32>
    %add3A_189 = vector.broadcast %sub3A_188 : vector<8x1xf32> to vector<8x2048xf32>
    %add3A_190 = arith.addf %add3A_189, %sub3A_103 : vector<8x2048xf32>
    %mul3A_191 = arith.mulf %add3A_190, %convert_element_type3A_43 : vector<8x2048xf32>
    %reduce_sum3A_192 = arith.constant dense<0.000000e+00> : vector<2048xf32>
    %reduce_sum3A_193 = vector.multi_reduction <add>, %mul3A_191, %reduce_sum3A_192 [0] : vector<8x2048xf32> to vector<2048xf32>
    %broadcast_in_dim3A_194 = vector.shape_cast %reduce_sum3A_193 : vector<2048xf32> to vector<1x2048xf32>
    %add3A_195 = arith.addf %sub3A_188, %broadcast_in_dim3A_162 : vector<8x1xf32>
    %add3A_196 = vector.broadcast %add3A_195 : vector<8x1xf32> to vector<8x2048xf32>
    %add3A_197 = arith.addf %add3A_196, %sub3A_159 : vector<8x2048xf32>
    %mul3A_198 = arith.mulf %add3A_197, %convert_element_type3A_48 : vector<8x2048xf32>
    %reduce_sum3A_199 = arith.constant dense<0.000000e+00> : vector<2048xf32>
    %reduce_sum3A_200 = vector.multi_reduction <add>, %mul3A_198, %reduce_sum3A_199 [0] : vector<8x2048xf32> to vector<2048xf32>
    %broadcast_in_dim3A_201 = vector.shape_cast %reduce_sum3A_200 : vector<2048xf32> to vector<1x2048xf32>
    %concatenate3A_202 = tpu.concatenate %broadcast_in_dim3A_194, %broadcast_in_dim3A_201 in 1 : vector<1x2048xf32>, vector<1x2048xf32> -> vector<1x4096xf32>
    %convert_element_type3A_203 = arith.fptosi %concatenate3A_202 : vector<1x4096xf32> to vector<1x4096xi32>
    %swap3A_204 = arith.constant 0 : index
    %swap3A_205 = arith.constant 0 : index
    %swap3A_206 = vector.load %arg2[%swap3A_204, %swap3A_205] : memref<1x4096xi32, #tpu.memory_space<vmem>>, vector<1x4096xi32>
    tpu.vector_store %arg2[%swap3A_204, %swap3A_205], %convert_element_type3A_203 {strides = array<i32>} : memref<1x4096xi32, #tpu.memory_space<vmem>>, vector<1x4096xi32>,
    %slice3A_207 = vector.extract_strided_slice %add3A_187 {offsets = [7, 0], sizes = [1, 1], strides = [1, 1]} : vector<8x1xf32> to vector<1x1xf32>
    %iota3A_208 = tpu.iota {dimensions = array<i32: 0>} : vector<24x8xi32>
    %convert_element_type3A_209 = arith.sitofp %iota3A_208 : vector<24x8xi32> to vector<24x8xf32>
    %mul3A_210 = arith.constant 2.560000e+02 : f32
    %mul3A_211 = vector.broadcast %mul3A_210 : f32 to vector<24x8xf32>
    %mul3A_212 = arith.mulf %convert_element_type3A_209, %mul3A_211 : vector<24x8xf32>
    %iota3A_213 = tpu.iota {dimensions = array<i32: 0>} : vector<8x8xi32>
    %iota3A_214 = tpu.iota {dimensions = array<i32: 1>} : vector<8x8xi32>
    %eq3A_215 = arith.cmpi eq, %iota3A_213, %iota3A_214 : vector<8x8xi32>
    %convert_element_type3A_216 = arith.extui %eq3A_215 : vector<8x8xi1> to vector<8x8xi32>
    %convert_element_type3A_217 = arith.sitofp %convert_element_type3A_216 : vector<8x8xi32> to vector<8x8xf32>
    %mul3A_218 = vector.broadcast %add3A_187 : vector<8x1xf32> to vector<8x8xf32>
    %mul3A_219 = arith.mulf %convert_element_type3A_217, %mul3A_218 : vector<8x8xf32>
    %reduce_sum3A_220 = arith.constant dense<0.000000e+00> : vector<8xf32>
    %reduce_sum3A_221 = vector.multi_reduction <add>, %mul3A_219, %reduce_sum3A_220 [0] : vector<8x8xf32> to vector<8xf32>
    %broadcast_in_dim3A_222 = vector.shape_cast %reduce_sum3A_221 : vector<8xf32> to vector<1x8xf32>
    %ge3A = vector.broadcast %broadcast_in_dim3A_222 : vector<1x8xf32> to vector<24x8xf32>
    %ge3A_223 = arith.cmpf oge, %mul3A_212, %ge3A : vector<24x8xf32>
    %convert_element_type3A_224 = arith.extui %ge3A_223 : vector<24x8xi1> to vector<24x8xi32>
    %reduce_sum3A_225 = arith.constant dense<0> : vector<24xi32>
    %reduce_sum3A_226 = vector.multi_reduction <add>, %convert_element_type3A_224, %reduce_sum3A_225 [1] : vector<24x8xi32> to vector<24xi32>
    %min3A = arith.constant 7 : i32
    %min3A_227 = vector.broadcast %min3A : i32 to vector<24xi32>
    %min3A_228 = arith.minsi %reduce_sum3A_226, %min3A_227 : vector<24xi32>
    %broadcast_in_dim3A_229 = vector.shape_cast %min3A_228 : vector<24xi32> to vector<1x24xi32>
    %swap3A_230 = arith.constant 0 : index
    %swap3A_231 = arith.constant 0 : index
    %swap3A_232 = vector.load %arg4[%swap3A_230, %swap3A_231] : memref<1x24xi32, #tpu.memory_space<vmem>>, vector<1x24xi32>
    tpu.vector_store %arg4[%swap3A_230, %swap3A_231], %broadcast_in_dim3A_229 {strides = array<i32>} : memref<1x24xi32, #tpu.memory_space<vmem>>, vector<1x24xi32>,
    %slice3A_233 = vector.extract_strided_slice %mul3A_212 {offsets = [0, 0], sizes = [24, 1], strides = [1, 1]} : vector<24x8xf32> to vector<24x1xf32>
    %squeeze3A = vector.shape_cast %slice3A_233 : vector<24x1xf32> to vector<24xf32>
    %squeeze3A_234 = vector.extract %slice3A_207[0, 0] : f32 from vector<1x1xf32>
    %lt3A = vector.broadcast %squeeze3A_234 : f32 to vector<24xf32>
    %lt3A_235 = arith.cmpf olt, %squeeze3A, %lt3A : vector<24xf32>
    %convert_element_type3A_236 = arith.extui %lt3A_235 : vector<24xi1> to vector<24xi32>
    %broadcast_in_dim3A_237 = vector.shape_cast %convert_element_type3A_236 : vector<24xi32> to vector<1x24xi32>
    %swap3A_238 = arith.constant 0 : index
    %swap3A_239 = arith.constant 0 : index
    %swap3A_240 = vector.load %arg5[%swap3A_238, %swap3A_239] : memref<1x24xi32, #tpu.memory_space<vmem>>, vector<1x24xi32>
    tpu.vector_store %arg5[%swap3A_238, %swap3A_239], %broadcast_in_dim3A_237 {strides = array<i32>} : memref<1x24xi32, #tpu.memory_space<vmem>>, vector<1x24xi32>,
    %squeeze3A_241 = vector.shape_cast %add3A_166 : vector<8x1xf32> to vector<8xf32>
    %div3A_242 = arith.constant 4.096000e+03 : f32
    %div3A_243 = vector.broadcast %div3A_242 : f32 to vector<8xf32>
    %div3A_244 = arith.divf %squeeze3A_241, %div3A_243 : vector<8xf32>
    %reduce_sum3A_245 = arith.constant dense<0.000000e+00> : vector<8xf32>
    %reduce_sum3A_246 = vector.multi_reduction <add>, %div3A_10, %reduce_sum3A_245 [0] : vector<2048x8xf32> to vector<8xf32>
    %div3A_247 = arith.constant 2.048000e+03 : f32
    %div3A_248 = vector.broadcast %div3A_247 : f32 to vector<8xf32>
    %div3A_249 = arith.divf %reduce_sum3A_246, %div3A_248 : vector<8xf32>
    %mul3A_250 = arith.mulf %div3A_244, %div3A_249 : vector<8xf32>
    %reduce_sum3A_251 = vector.shape_cast %mul3A_250 : vector<8xf32> to vector<1x8xf32>
    %reduce_sum3A_252 = arith.constant dense<0.000000e+00> : vector<1xf32>
    %reduce_sum3A_253 = vector.multi_reduction <add>, %reduce_sum3A_251, %reduce_sum3A_252 [1] : vector<1x8xf32> to vector<1xf32>
    %reduce_sum3A_254 = vector.shape_cast %reduce_sum3A_253 : vector<1xf32> to vector<1x1xf32>
    %reduce_sum3A_255 = vector.extract %reduce_sum3A_254[0, 0] : f32 from vector<1x1xf32>
    %mul3A_256 = arith.constant 8.000000e+00 : f32
    %mul3A_257 = arith.mulf %mul3A_256, %reduce_sum3A_255 : f32
    %squeeze3A_258 = vector.shape_cast %broadcast_in_dim3A : vector<2048x1xf32> to vector<2048xf32>
    %squeeze3A_259 = vector.shape_cast %broadcast_in_dim3A_9 : vector<2048x1xf32> to vector<2048xf32>
    %log3A = math.log %squeeze3A_259 : vector<2048xf32>
    %add3A_260 = arith.addf %squeeze3A_258, %log3A : vector<2048xf32>
    %square3A = arith.mulf %add3A_260, %add3A_260 : vector<2048xf32>
    %reduce_sum3A_261 = vector.shape_cast %square3A : vector<2048xf32> to vector<1x2048xf32>
    %reduce_sum3A_262 = arith.constant dense<0.000000e+00> : vector<1xf32>
    %reduce_sum3A_263 = vector.multi_reduction <add>, %reduce_sum3A_261, %reduce_sum3A_262 [1] : vector<1x2048xf32> to vector<1xf32>
    %reduce_sum3A_264 = vector.shape_cast %reduce_sum3A_263 : vector<1xf32> to vector<1x1xf32>
    %reduce_sum3A_265 = vector.extract %reduce_sum3A_264[0, 0] : f32 from vector<1x1xf32>
    %div3A_266 = arith.constant 2.048000e+03 : f32
    %div3A_267 = arith.divf %reduce_sum3A_265, %div3A_266 : f32
    %mul3A_268 = arith.constant 1.000000e-03 : f32
    %mul3A_269 = arith.mulf %div3A_267, %mul3A_268 : f32
    %add3A_270 = arith.constant 9.99999971E-10 : f32
    %add3A_271 = vector.broadcast %add3A_270 : f32 to vector<2048x8xf32>
    %add3A_272 = arith.addf %div3A_10, %add3A_271 : vector<2048x8xf32>
    %log3A_273 = math.log %add3A_272 : vector<2048x8xf32>
    %mul3A_274 = arith.mulf %div3A_10, %log3A_273 : vector<2048x8xf32>
    %reduce_sum3A_275 = arith.constant dense<0.000000e+00> : vector<2048xf32>
    %reduce_sum3A_276 = vector.multi_reduction <add>, %mul3A_274, %reduce_sum3A_275 [1] : vector<2048x8xf32> to vector<2048xf32>
    %neg3A = arith.constant 0.000000e+00 : f32
    %neg3A_277 = vector.broadcast %neg3A : f32 to vector<2048xf32>
    %neg3A_278 = arith.subf %neg3A_277, %reduce_sum3A_276 : vector<2048xf32>
    %reduce_sum3A_279 = vector.shape_cast %neg3A_278 : vector<2048xf32> to vector<1x2048xf32>
    %reduce_sum3A_280 = arith.constant dense<0.000000e+00> : vector<1xf32>
    %reduce_sum3A_281 = vector.multi_reduction <add>, %reduce_sum3A_279, %reduce_sum3A_280 [1] : vector<1x2048xf32> to vector<1xf32>
    %reduce_sum3A_282 = vector.shape_cast %reduce_sum3A_281 : vector<1xf32> to vector<1x1xf32>
    %reduce_sum3A_283 = vector.extract %reduce_sum3A_282[0, 0] : f32 from vector<1x1xf32>
    %div3A_284 = arith.constant 2.048000e+03 : f32
    %div3A_285 = arith.divf %reduce_sum3A_283, %div3A_284 : f32
    %log3A_286 = arith.constant 8.000000e+00 : f32
    %log3A_287 = math.log %log3A_286 : f32
    %sub3A_288 = arith.subf %log3A_287, %div3A_285 : f32
    %mul3A_289 = arith.constant 0.00999999977 : f32
    %mul3A_290 = arith.mulf %sub3A_288, %mul3A_289 : f32
    %gt3A = arith.constant 0.00999999977 : f32
    %gt3A_291 = vector.broadcast %gt3A : f32 to vector<8xf32>
    %gt3A_292 = arith.cmpf ogt, %div3A_244, %gt3A_291 : vector<8xf32>
    %convert_element_type3A_293 = arith.extui %gt3A_292 : vector<8xi1> to vector<8xi32>
    %convert_element_type3A_294 = arith.sitofp %convert_element_type3A_293 : vector<8xi32> to vector<8xf32>
    %reduce_sum3A_295 = vector.shape_cast %convert_element_type3A_294 : vector<8xf32> to vector<1x8xf32>
    %reduce_sum3A_296 = arith.constant dense<0.000000e+00> : vector<1xf32>
    %reduce_sum3A_297 = vector.multi_reduction <add>, %reduce_sum3A_295, %reduce_sum3A_296 [1] : vector<1x8xf32> to vector<1xf32>
    %reduce_sum3A_298 = vector.shape_cast %reduce_sum3A_297 : vector<1xf32> to vector<1x1xf32>
    %reduce_sum3A_299 = vector.extract %reduce_sum3A_298[0, 0] : f32 from vector<1x1xf32>
    %div3A_300 = arith.constant 8.000000e+00 : f32
    %div3A_301 = arith.divf %reduce_sum3A_299, %div3A_300 : f32
    %sub3A_302 = arith.constant 1.000000e+00 : f32
    %sub3A_303 = arith.subf %sub3A_302, %div3A_301 : f32
    %mul3A_304 = arith.constant 1.000000e-01 : f32
    %mul3A_305 = arith.mulf %sub3A_303, %mul3A_304 : f32
    %add3A_306 = arith.addf %mul3A_257, %mul3A_269 : f32
    %add3A_307 = arith.addf %add3A_306, %mul3A_290 : f32
    %add3A_308 = arith.addf %add3A_307, %mul3A_305 : f32
    %broadcast_in_dim3A_309 = vector.broadcast %add3A_308 : f32 to vector<1x1xf32>
    %swap3A_310 = arith.constant 0 : index
    %swap3A_311 = arith.constant 0 : index
    %swap3A_312 = vector.load %arg6[%swap3A_310, %swap3A_311] : memref<1x1xf32, #tpu.memory_space<vmem>>, vector<1x1xf32>
    tpu.vector_store %arg6[%swap3A_310, %swap3A_311], %broadcast_in_dim3A_309 {strides = array<i32>} : memref<1x1xf32, #tpu.memory_space<vmem>>, vector<1x1xf32>,
    return
  }
}

</mosaic_0001>

<sc_bundles>
// kernel: kernel.11.cloned.1.call-start
scs
__scs_entry_jumppad:
0x0: {  	(pc) =	sbr.rel $0x88, $3  }
0x1: {  	(tag) =	ssettag $0x0;
	lr =	simm.s32 $0x1  }
0x2: {  	[smem:$0x3F98] =	sst lr;
	_ =	strace $0xD0000000  }
0x3: {  	_ = 	snop  }
0x4: {  	_ = 	snop  }
0x5: {  	_ = 	snop  }
0x6: {  	_ = 	snop  }
0x7: {  	_ = 	snop  }
__scs_overlays_trampoline_lowered:
0x8: {  	[smem:$0x3FA7] =	sst s0  }
0x9: {  	[smem:$0x3FA8] =	sst s1  }
0xa: {  	[smem:$0x3FA9] =	sst s2  }
0xb: {  	[smem:$0x3FAA] =	sst s3  }
0xc: {  	[smem:$0x3FAB] =	sst s4  }
0xd: {  	[smem:$0x3FAC] =	sst s5  }
0xe: {  	[smem:$0x3FAD] =	sst s6  }
0xf: {  	[smem:$0x3FAE] =	sst s7  }
0x10: {  	[smem:$0x3FAF] =	sst s8  }
0x11: {  	[smem:$0x3FB0] =	sst s9;
	s0 =	simm.s32 @!p0 $0x0  }
0x12: {  	s1 =	sld [smem:$0x3F96];
	s0 =	simm.s32 @p0 $0x1  }
0x13: {  	[smem:$0x3FB1] =	sst s0;
	s0 =	simm.s32 @!p1 $0x0  }
0x14: {  	s2 =	sld [smem:$0x3F95];
	s0 =	simm.s32 @p1 $0x1  }
0x15: {  	[smem:$0x3FB2] =	sst s0;
	s0 =	simm.s32 @!p2 $0x0  }
0x16: {  	s3 =	sld [smem:$0x3FDB];
	s0 =	simm.s32 @p2 $0x1  }
0x17: {  	s4 =	simm.s32 $0x1BF5;
	[smem:$0x3FB4] =	sst s0  }
0x18: {  	s0 =	sld [smem:$0x3F97];
	_ =	swait.ge [sflag:s4], $0x0  }
0x19: {  	s7 =	sld [smem:$0x3F98]  }
0x1a: {  	s8 =	sadd.s32 $0xFFFFE003, lr  }
0x1b: {  	s9 =	sadd.s32 $0xFFFFFEF7, lr;
	s5 =	simm.s32 $0xFFFFFFFF;
	p2 =	slt.u32 s8, $0xFFFFF086  }
0x1c: {  	p1 =	slt.u32 s9, $0xF7A;
	s5 =	simm.s32 @!p2 $0x0  }
0x1d: {  	s5 =	simm.s32 @p1 $0x1;
	p0 =	seq.s32 s7, s2  }
0x1e: {  	s7 =	smul.u32 @!p0 $0xF7A, s2;
	p2 =	seq.s32 @!p0 s5, $0x0  }
0x1f: {  	s9 =	smul.u32 $0xF7A, s1;
	s8 =	simm.s32 @!p0 $0x1BF5;
	p2 =	por !p2, p0  }
0x20: {  	[sflag:s8] =	ssyncset.s32 @!p0 $0xFFFFF086;
	s6 =	sadd.s32 @!p0 s3, s7;
	s7 =	simm.s32 @!p0 $0x108  }
0x21: {  	s3 =	sadd.s32 s3, s9;
	s6 =	sadd.s32 @!p0 $0x88, s6;
	s7 =	simm.s32 @p2 $0x1082  }
0x22: {  	[simem:s7], [sflag:s8] =	dma.local @!p0 [hbm:s6], $0xF7A  }
0x23: {  	s9 =	sor.u32 $0xD0000000, s2;
	s6 =	simm.s32 $0x108;
	_ =	swait.ge @!p0 [sflag:s8], $0x0  }
0x24: {  	s3 =	sadd.s32 $0x88, s3;
	s6 =	simm.s32 @!p1 $0x1082;
	[sflag:s4] =	ssyncset.s32 $0xFFFFF086  }
0x25: {  	[simem:s6], [sflag:s4] =	dma.local [hbm:s3], $0xF7A  }
0x26: {  	[smem:$0x3F98] =	sst s1;
	(tag) =	ssettag s2;
	_ =	strace s9  }
0x27: {  	s1 =	sld [smem:$0x3FA8]  }
0x28: {  	s2 =	sld [smem:$0x3FA9]  }
0x29: {  	s4 =	sld [smem:$0x3FAB]  }
0x2a: {  	p0 =	seq.s32 s5, $0x0;
	s5 =	sld [smem:$0x3FAC]  }
0x2b: {  	s6 =	sld [smem:$0x3FAD]  }
0x2c: {  	s7 =	sld [smem:$0x3FAE]  }
0x2d: {  	s3 =	simm.s32 $0x108;
	s8 =	sld [smem:$0x3FAF]  }
0x2e: {  	s3 =	simm.s32 @!p0 $0x1082;
	s9 =	sld [smem:$0x3FB0]  }
0x2f: {  	lr =	sadd.s32 s0, s3;
	s0 =	sld [smem:$0x3FA7]  }
0x30: {  	s3 =	sld [smem:$0x3FAA]  }
0x31: {  	[smem:$0x3FB3] =	sst s10  }
0x32: {  	s10 =	sld [smem:$0x3FB1];
	_ =	sdelay $0x3  }
0x33: {  	p0 =	seq.s32 s10, $0x1;
	s10 =	sld [smem:$0x3FB3];
	_ =	sdelay $0x3  }
0x34: {  	[smem:$0x3FB3] =	sst s10  }
0x35: {  	s10 =	sld [smem:$0x3FB2];
	_ =	sdelay $0x3  }
0x36: {  	p1 =	seq.s32 s10, $0x1;
	s10 =	sld [smem:$0x3FB3];
	_ =	sdelay $0x3  }
0x37: {  	[smem:$0x3FB3] =	sst s10  }
0x38: {  	s10 =	sld [smem:$0x3FB4]  }
0x39: {  	_ = 	snop;
	(pc) =	sbr.ind lr, $3  }
0x3a: {  	_ = 	snop  }
0x3b: {  	_ = 	snop  }
0x3c: {  	p2 =	seq.s32 s10, $0x1;
	s10 =	sld [smem:$0x3FB3]  }
0x3d: {  	_ =	shalt  }
0x3e: {  	_ =	shalt  }
0x3f: {  	_ =	shalt  }
0x40: {  	_ =	shalt  }
0x41: {  	_ =	shalt  }
0x42: {  	_ =	shalt  }
0x43: {  	_ =	shalt  }
0x44: {  	_ =	shalt  }
0x45: {  	_ =	shalt  }
0x46: {  	_ =	shalt  }
0x47: {  	_ =	shalt  }
0x48: {  	_ =	shalt  }
0x49: {  	_ =	shalt  }
0x4a: {  	_ =	shalt  }
0x4b: {  	_ =	shalt  }
0x4c: {  	_ =	shalt  }
0x4d: {  	_ =	shalt  }
0x4e: {  	_ =	shalt  }
0x4f: {  	_ =	shalt  }
0x50: {  	_ =	shalt  }
0x51: {  	_ =	shalt  }
0x52: {  	_ =	shalt  }
0x53: {  	_ =	shalt  }
0x54: {  	_ =	shalt  }
0x55: {  	_ =	shalt  }
0x56: {  	_ =	shalt  }
0x57: {  	_ =	shalt  }
0x58: {  	_ =	shalt  }
0x59: {  	_ =	shalt  }
0x5a: {  	_ =	shalt  }
0x5b: {  	_ =	shalt  }
0x5c: {  	_ =	shalt  }
0x5d: {  	_ =	shalt  }
0x5e: {  	_ =	shalt  }
0x5f: {  	_ =	shalt  }
0x60: {  	_ =	shalt  }
0x61: {  	_ =	shalt  }
0x62: {  	_ =	shalt  }
0x63: {  	_ =	shalt  }
0x64: {  	_ =	shalt  }
0x65: {  	_ =	shalt  }
0x66: {  	_ =	shalt  }
0x67: {  	_ =	shalt  }
0x68: {  	_ =	shalt  }
0x69: {  	_ =	shalt  }
0x6a: {  	_ =	shalt  }
0x6b: {  	_ =	shalt  }
0x6c: {  	_ =	shalt  }
0x6d: {  	_ =	shalt  }
0x6e: {  	_ =	shalt  }
0x6f: {  	_ =	shalt  }
0x70: {  	_ =	shalt  }
0x71: {  	_ =	shalt  }
0x72: {  	_ =	shalt  }
0x73: {  	_ =	shalt  }
0x74: {  	_ =	shalt  }
0x75: {  	_ =	shalt  }
0x76: {  	_ =	shalt  }
0x77: {  	_ =	shalt  }
0x78: {  	_ =	shalt  }
0x79: {  	_ =	shalt  }
0x7a: {  	_ =	shalt  }
0x7b: {  	_ =	shalt  }
0x7c: {  	_ =	shalt  }
0x7d: {  	_ =	shalt  }
0x7e: {  	_ =	shalt  }
0x7f: {  	_ =	shalt  }
0x80: {  	_ =	shalt  }
0x81: {  	_ =	shalt  }
0x82: {  	_ =	shalt  }
0x83: {  	_ =	shalt  }
0x84: {  	_ =	shalt  }
0x85: {  	_ =	shalt  }
0x86: {  	_ =	shalt  }
0x87: {  	_ =	shalt  }
.Lfunc_end0:
.L_simem_size_0:
called_computation.1_lowered:
.L_overlay_start_0:
0x88: {  	s2 =	sld [smem:$0x3FD9]  }
0x89: {  	s3 =	sld [smem:$0x3FFE];
	_ =	sdelay $0x1  }
0x8a: {  	s1 =	srdreg.scid  }
0x8b: {  	s0 =	sand.u32 $0x1, s1  }
0x8c: {  	s14 =	sshll.u32 s0, $0xA;
	s2 =	sadd.s32 s3, s2  }
0x8d: {  	s2 =	sadd.s32 s2, s14  }
0x8e: {  	[smem:$0x3FBF] =	sst s2  }
0x8f: {  	_ = 	snop  }
0x90: {  	s2 =	sld [smem:$0x3FD0];
	_ =	sdelay $0x2  }
0x91: {  	s15 =	simm.s32 $0xA;
	s4 =	simm.s32 $0x10  }
0x92: {  	[smem:s4], [sflag:s15] =	dma.local [hbm:s2], $0x1  }
0x93: {  	_ =	swait.eq [sflag:s15], $0x1  }
0x94: {  	[sflag:s15] =	ssyncset.done $0x0  }
0x95: {  	[sflag:s15] =	ssyncadd.s32 $0xFFFFFFFF  }
0x96: {  	s16 =	sld [smem:$0x10];
	(tm) =	ssettm $0x1  }
0x97: {  	s17 =	sld [smem:$0x3FFB];
	_ =	sdelay $0x3  }
0x98: {  	_ =	strace s17  }
0x99: {  	s3 =	sld [smem:$0x3FFC];
	_ =	sdelay $0x3  }
0x9a: {  	_ =	strace s3  }
0x9b: {  	s3 =	sld [smem:$0x3FFD];
	_ =	sdelay $0x3  }
0x9c: {  	_ =	strace s3  }
0x9d: {  	_ =	strace $0x8FFFFFFF  }
0x9e: {  	s18 =	sld [smem:$0x3FDB];
	_ =	sdelay $0x1  }
0x9f: {  	s19 =	simm.s32 $_scs_section_size  }
0xa0: {  	s5 =	simm.s32 $_size__tile_overlayer_lowered;
	s6 =	simm.s32 $_tile_overlayer_lowered  }
0xa1: {  	s22 =	simm.s32 $0x1BFF;
	s21 =	sshll.u32 s6, $0x1;
	s3 =	sadd.s32 s19, s18  }
0xa2: {  	s7 =	simm.s32 $0x0;
	s20 =	sshll.u32 s5, $0x1;
	s5 =	sadd.s32 s21, s3  }
0xa3: {  	[timem:s7], [sflag:s22] =	dma.local [hbm:s5], s20  }
0xa4: {  	_ =	swait.ge [sflag:s22], s20  }
0xa5: {  	s4 =	ssub.s32 $0x0, s20;
	[sflag:s22] =	ssyncset.done $0x0  }
0xa6: {  	[sflag:s22] =	ssyncadd.s32 s4;
	_ =	sdelay $0x1  }
0xa7: {  	s23 =	simm.s32 $0x1B8B  }
0xa8: {  	_ =	swait.ge [sflag:s23], $0x1  }
0xa9: {  	[sflag:s23] =	ssyncset.done $0x0  }
0xaa: {  	s25 =	simm.s32 $0x1B8E;
	s24 =	sld [smem:$0x3FFE];
	[sflag:s23] =	ssyncadd.s32 $0xFFFFFFFF  }
0xab: {  	s26 =	simm.s32 $execute0_lowered;
	[smem:$0x3FD2] =	sst s25  }
0xac: {  	s5 =	sshll.u32 s26, $0x1;
	_ =	strace $0x80000049;
	[dreg:$0x1] =	wrdreg $0xFFFFFFFF  }
0xad: {  	s28 =	simm.s32 $_size_execute0_lowered;
	s3 =	sadd.s32 s3, s5;
	[dreg:$0x0] =	wrdreg $0x0  }
0xae: {  	s5 =	sshll.u32 s28, $0x1;
	[dreg:$0x2] =	wrdreg s3  }
0xaf: {  	[dreg:$0x3] =	wrdreg s5  }
0xb0: {  	[dreg:$0x4] =	wrdreg $0xC0  }
0xb1: {  	_ =	task [dreg:s7], $0x5FFFF  }
0xb2: {  	[dreg:$0x1] =	wrdreg $0xFFFFFFFF  }
0xb3: {  	[dreg:$0x0] =	wrdreg $0x60  }
0xb4: {  	[dreg:$0x2] =	wrdreg s24  }
0xb5: {  	[dreg:$0x3] =	wrdreg s16  }
0xb6: {  	[dreg:$0x4] =	wrdreg $0x9  }
0xb7: {  	_ =	task.clear_ibuf [dreg:s7], $0x5FFFF;
	_ =	strace $0x90000049  }
0xb8: {  	s29 =	simm.s32 $0x9;
	_ =	strace $0x8000004B  }
0xb9: {  	_ =	swait.ge [sflag:s29], $0x1  }
0xba: {  	[sflag:s29] =	ssyncadd.s32 $0xFFFFFFFF  }
0xbb: {  	_ =	strace $0x9000004B  }
0xbc: {  	_ =	sfence  }
0xbd: {  	s30 =	sld [smem:$0x0];
	_ =	sdelay $0x2  }
0xbe: {  	s31 =	sshll.u32 s1, $0xD;
	s1 =	sshrl.u32 s1, $0x2  }
0xbf: {  	s3 =	sand.u32 $0x4000, s31;
	s1 =	sadd.s32 s1, s30  }
0xc0: {  	s0 =	sor.u32 s3, s0;
	s1 =	sshll.u32 s1, $0x11  }
0xc1: {  	s0 =	sor.u32 s1, s0  }
0xc2: {  	s0 =	sadd.s32 $0x8F2B, s0  }
0xc3: {  	[sflag:s0] =	ssyncadd.remote.s32 $0x1  }
0xc4: {  	_ =	sfence.sel $0xFFFF  }
0xc5: {  	[dreg:$0x0] =	wrdreg $0xFFFFFFFF;
	(pc) =	sbr.abs _section_cstart, $3  }
0xc6: {  	[dreg:$0x1] =	wrdreg $0xFFFFFFFF  }
0xc7: {  	_ =	task.clear_ibuf [dreg:s7], $0x2FFFF;
	_ =	strace $0x9FFFFFFF  }
0xc8: {  	(tm) =	ssettm $0x7FFFFFFF  }
0xc9: {  	_ =	shalt  }
tec
execute0_lowered:
.L_overlay_start_1:
0x0: {  	(tag) =	ssettag $0x1  }
0x1: {  	s2 =	srdreg.scid;
	s1 =	rddreg [dreg:$0x0]  }
0x2: {  	s3 =	rddreg [dreg:$0x1];
	s4 =	sand.u32 $0x1, s2;
	s2 =	simm.s32 $0x0  }
0x3: {  	s23 =	simm.s32 $0x80;
	[smem:$0x7FF] =	sst s2  }
0x4: {  	s24 =	simm.s32 $0x900;
	_ =	strace $0x8000004A;
	[dreg:$0x7] =	wrdreg s23  }
0x5: {  	s25 =	simm.s32 $0x1100;
	[dreg:$0x8] =	wrdreg s24  }
0x6: {  	s0 =	stileid.u32;
	s26 =	simm.s32 $0x1900;
	[dreg:$0x9] =	wrdreg s25  }
0x7: {  	s5 =	sshll.u32 s0, $0x4;
	s0 =	simm.s32 $0x2100;
	[dreg:$0xa] =	wrdreg s26  }
0x8: {  	s8 =	simm.s32 $0x4100;
	[dreg:$0xb] =	wrdreg s0  }
0x9: {  	s9 =	simm.s32 $0x4900;
	[dreg:$0xf] =	wrdreg s8  }
0xa: {  	s10 =	simm.s32 $0x5100;
	[dreg:$0x10] =	wrdreg s9  }
0xb: {  	s11 =	simm.s32 $0x5900;
	[dreg:$0x11] =	wrdreg s10  }
0xc: {  	s12 =	simm.s32 $0x6100;
	[dreg:$0x12] =	wrdreg s11  }
0xd: {  	s13 =	simm.s32 $0x6900;
	[dreg:$0x13] =	wrdreg s12  }
0xe: {  	s14 =	simm.s32 $0x7100;
	s15 =	simm.s32 $0x7900;
	[dreg:$0x14] =	wrdreg s13  }
0xf: {  	s16 =	simm.s32 $0x8100;
	s17 =	simm.s32 $0x8900;
	[dreg:$0x15] =	wrdreg s14  }
0x10: {  	s18 =	simm.s32 $0x9100;
	s20 =	simm.s32 $0x9900;
	[dreg:$0x16] =	wrdreg s15  }
0x11: {  	s28 =	simm.s32 $0x16100;
	s29 =	simm.s32 $0x16900;
	[dreg:$0x17] =	wrdreg s16  }
0x12: {  	s30 =	simm.s32 $0x17100;
	s31 =	simm.s32 $0x17900;
	[dreg:$0x18] =	wrdreg s17  }
0x13: {  	s6 =	sshll.u32 s4, $0x3;
	s4 =	ssub.s32 $0x2, s4;
	[dreg:$0x19] =	wrdreg s18  }
0x14: {  	s5 =	sor.u32 s6, s5;
	s19 =	sshrl.u32 s4, $0x1;
	[dreg:$0x1a] =	wrdreg s20  }
0x15: {  	s23 =	simm.s32 $0xB100;
	s24 =	simm.s32 $0xB900;
	s25 =	simm.s32 $0xC900  }
0x16: {  	s8 =	simm.s32 $0x100;
	s26 =	simm.s32 $0xD100;
	s9 =	simm.s32 $0xC100  }
0x17: {  	s11 =	simm.s32 $0xE100;
	s12 =	simm.s32 $0xE900;
	s13 =	simm.s32 $0xF100  }
0x18: {  	s14 =	simm.s32 $0xF900;
	s15 =	simm.s32 $0x10100;
	[dreg:$0x1d] =	wrdreg s23  }
0x19: {  	s16 =	simm.s32 $0x10900;
	s17 =	simm.s32 $0x11100;
	[dreg:$0x1e] =	wrdreg s24  }
0x1a: {  	s18 =	simm.s32 $0x11900;
	s6 =	sadd.s32 s5, s1;
	[dreg:$0x1f] =	wrdreg s25  }
0x1b: {  	s5 =	smul.u32 $0x300, s5;
	[smem:$0x7FD] =	sst s26;
	s7 =	sadd.s32 $0x2C00, s6  }
0x1c: {  	s20 =	simm.s32 $0x12900;
	s6 =	sadd.s32 $0x2D00, s6;
	[dreg:$0x3] =	wrdreg s7  }
0x1d: {  	s23 =	simm.s32 $0x14100;
	[dreg:$0x4] =	wrdreg s6;
	s3 =	sadd.s32 s3, s5  }
0x1e: {  	s21 =	sadd.s32 s5, s1;
	s5 =	simm.s32 $0x2900;
	[dreg:$0x5] =	wrdreg s3  }
0x1f: {  	s24 =	simm.s32 $0x14900;
	s6 =	simm.s32 $0x3100;
	[dreg:$0xc] =	wrdreg s5  }
0x20: {  	s25 =	simm.s32 $0x15100;
	s7 =	simm.s32 $0x3900;
	[dreg:$0xd] =	wrdreg s6  }
0x21: {  	s26 =	simm.s32 $0x15900;
	s22 =	sadd.s32 $0x92E00, s21;
	[dreg:$0xe] =	wrdreg s7  }
0x22: {  	s3 =	sadd.s32 $0x2E00, s1;
	s6 =	ssub.s32 s4, s19;
	s21 =	simm.s32 $0xA100  }
0x23: {  	s4 =	sadd.s32 $0x2F00, s1;
	s5 =	sadd.s32 $0x3000, s1;
	s7 =	simm.s32 $0x2  }
0x24: {  	v2 =	vlaneseq.u32;
	s19 =	simm.s32 $0x12100;
	s1 =	simm.s32 $0x1;
	[dreg:$0x6] =	wrdreg s22  }
0x25: {  	vm0 =	vmmov $0xffff;
	v1 =	vshrl.u32 v2, $0x3;
	[dreg:$0x1b] =	wrdreg s21;
	s22 =	simm.s32 $0xA900;
	s6 =	smax.u32 s6, $0x1  }
0x26: {  	v0 =	vand.u32 $0x7, v2;
	v2 =	vor.u32 $0x8, v2;
	v1 =	vmul.u32 $0x8, v1;
	s21 =	simm.s32 $0x13100;
	[dreg:$0x1c] =	wrdreg s22;
	s22 =	simm.s32 $0x13900  }
.LBB2_1:
0x27: {  	s0 =	rddreg [dreg:$0x3]  }
0x28: {  	[tilespmem:s2], [sflag:$0x2] =	stream.linear.gather [hbm4b:s0+s2], $0x40, $0x38;
	[tilespmem:$0x18100] =	vst v63  }
0x29: {  	_ =	swait.ge [sflag:s7], $0x40  }
0x2a: {  	s0 =	rddreg [dreg:$0x4];
	[sflag:s7] =	ssyncset.done $0x0  }
0x2b: {  	s10 =	rddreg [dreg:$0x7];
	[sflag:s7] =	ssyncadd.s32 $0xFFFFFFC0  }
0x2c: {  	[tilespmem:s10], [sflag:$0x2] =	stream.linear.gather [hbm4b:s0+s2], $0x40, $0x38;
	[tilespmem:$0x18100] =	vst v63  }
0x2d: {  	_ =	swait.ge [sflag:s7], $0x40  }
0x2e: {  	[sflag:s7] =	ssyncset.done $0x0  }
0x2f: {  	[sflag:s7] =	ssyncadd.s32 $0xFFFFFFC0  }
0x30: {  	v3 =	vld [tilespmem:$0x0];
	_ =	sdelay $0x4  }
0x31: {  	v4 =	vshrl.u32 v3, $0x3  }
0x32: {  	v4 =	vmul.u32 $0x30, v4  }
0x33: {  	v3 =	vand.u32 $0x7, v3  }
0x34: {  	v3 =	vor.u32 v3, v4  }
0x35: {  	v4 =	vperm.xlane v3, v0;
	_ =	sdelay $0x1  }
0x36: {  	v4 =	vadd.s32 v1, v4;
	_ =	sdelay $0x3  }
0x37: {  	v3 =	vperm.xlane v3, v2  }
0x38: {  	[tilespmem:s8], [sflag:$0x1] =	stream.indirect_vreg.gather [hbm4b:s3+s2], $0x80, v4, vm0, $0xb8;
	[tilespmem:$0x18100] =	vst v63  }
0x39: {  	s0 =	rddreg [dreg:$0x8];
	v3 =	vadd.s32 v1, v3  }
0x3a: {  	[tilespmem:s0], [sflag:$0x1] =	stream.indirect_vreg.gather [hbm4b:s4+s2], $0x80, v4, vm0, $0xb8;
	[tilespmem:$0x18100] =	vst v63  }
0x3b: {  	s10 =	rddreg [dreg:$0x9]  }
0x3c: {  	[tilespmem:s10], [sflag:$0x1] =	stream.indirect_vreg.gather [hbm4b:s5+s2], $0x80, v4, vm0, $0xb8;
	[tilespmem:$0x18100] =	vst v63  }
0x3d: {  	s0 =	rddreg [dreg:$0xa]  }
0x3e: {  	[tilespmem:s0], [sflag:$0x1] =	stream.indirect_vreg.gather [hbm4b:s3+s2], $0x80, v3, vm0, $0xb8;
	[tilespmem:$0x18100] =	vst v63  }
0x3f: {  	s10 =	rddreg [dreg:$0xb]  }
0x40: {  	[tilespmem:s10], [sflag:$0x1] =	stream.indirect_vreg.gather [hbm4b:s4+s2], $0x80, v3, vm0, $0xb8;
	[tilespmem:$0x18100] =	vst v63  }
0x41: {  	s0 =	rddreg [dreg:$0xc]  }
0x42: {  	[tilespmem:s0], [sflag:$0x1] =	stream.indirect_vreg.gather [hbm4b:s5+s2], $0x80, v3, vm0, $0xb8;
	[tilespmem:$0x18100] =	vst v63  }
0x43: {  	v3 =	vld [tilespmem:$0x10];
	_ =	sdelay $0x4  }
0x44: {  	v57 =	vshrl.u32 v3, $0x3  }
0x45: {  	v4 =	vmul.u32 $0x30, v57  }
0x46: {  	v3 =	vand.u32 $0x7, v3  }
0x47: {  	v3 =	vor.u32 v3, v4  }
0x48: {  	v4 =	vperm.xlane v3, v0;
	_ =	sdelay $0x1  }
0x49: {  	v4 =	vadd.s32 v1, v4;
	_ =	sdelay $0x3  }
0x4a: {  	s0 =	rddreg [dreg:$0xd];
	v3 =	vperm.xlane v3, v2  }
0x4b: {  	[tilespmem:s0], [sflag:$0x1] =	stream.indirect_vreg.gather [hbm4b:s3+s2], $0x80, v4, vm0, $0xb8;
	[tilespmem:$0x18100] =	vst v63  }
0x4c: {  	s10 =	rddreg [dreg:$0xe];
	v3 =	vadd.s32 v1, v3  }
0x4d: {  	[tilespmem:s10], [sflag:$0x1] =	stream.indirect_vreg.gather [hbm4b:s4+s2], $0x80, v4, vm0, $0xb8;
	[tilespmem:$0x18100] =	vst v63  }
0x4e: {  	s0 =	rddreg [dreg:$0xf]  }
0x4f: {  	[tilespmem:s0], [sflag:$0x1] =	stream.indirect_vreg.gather [hbm4b:s5+s2], $0x80, v4, vm0, $0xb8;
	[tilespmem:$0x18100] =	vst v63  }
0x50: {  	s10 =	rddreg [dreg:$0x10]  }
0x51: {  	[tilespmem:s10], [sflag:$0x1] =	stream.indirect_vreg.gather [hbm4b:s3+s2], $0x80, v3, vm0, $0xb8;
	[tilespmem:$0x18100] =	vst v63  }
0x52: {  	s0 =	rddreg [dreg:$0x11]  }
0x53: {  	[tilespmem:s0], [sflag:$0x1] =	stream.indirect_vreg.gather [hbm4b:s4+s2], $0x80, v3, vm0, $0xb8;
	[tilespmem:$0x18100] =	vst v63  }
0x54: {  	s10 =	rddreg [dreg:$0x12]  }
0x55: {  	[tilespmem:s10], [sflag:$0x1] =	stream.indirect_vreg.gather [hbm4b:s5+s2], $0x80, v3, vm0, $0xb8;
	[tilespmem:$0x18100] =	vst v63  }
0x56: {  	v3 =	vld [tilespmem:$0x20];
	_ =	sdelay $0x4  }
0x57: {  	v58 =	vshrl.u32 v3, $0x3  }
0x58: {  	v4 =	vmul.u32 $0x30, v58  }
0x59: {  	v3 =	vand.u32 $0x7, v3  }
0x5a: {  	v3 =	vor.u32 v3, v4  }
0x5b: {  	v4 =	vperm.xlane v3, v0;
	_ =	sdelay $0x1  }
0x5c: {  	v4 =	vadd.s32 v1, v4;
	_ =	sdelay $0x3  }
0x5d: {  	s0 =	rddreg [dreg:$0x13];
	v3 =	vperm.xlane v3, v2  }
0x5e: {  	[tilespmem:s0], [sflag:$0x1] =	stream.indirect_vreg.gather [hbm4b:s3+s2], $0x80, v4, vm0, $0xb8;
	[tilespmem:$0x18100] =	vst v63  }
0x5f: {  	s10 =	rddreg [dreg:$0x14];
	v3 =	vadd.s32 v1, v3  }
0x60: {  	[tilespmem:s10], [sflag:$0x1] =	stream.indirect_vreg.gather [hbm4b:s4+s2], $0x80, v4, vm0, $0xb8;
	[tilespmem:$0x18100] =	vst v63  }
0x61: {  	s0 =	rddreg [dreg:$0x15]  }
0x62: {  	[tilespmem:s0], [sflag:$0x1] =	stream.indirect_vreg.gather [hbm4b:s5+s2], $0x80, v4, vm0, $0xb8;
	[tilespmem:$0x18100] =	vst v63  }
0x63: {  	s10 =	rddreg [dreg:$0x16]  }
0x64: {  	[tilespmem:s10], [sflag:$0x1] =	stream.indirect_vreg.gather [hbm4b:s3+s2], $0x80, v3, vm0, $0xb8;
	[tilespmem:$0x18100] =	vst v63  }
0x65: {  	s0 =	rddreg [dreg:$0x17]  }
0x66: {  	[tilespmem:s0], [sflag:$0x1] =	stream.indirect_vreg.gather [hbm4b:s4+s2], $0x80, v3, vm0, $0xb8;
	[tilespmem:$0x18100] =	vst v63  }
0x67: {  	s10 =	rddreg [dreg:$0x18]  }
0x68: {  	[tilespmem:s10], [sflag:$0x1] =	stream.indirect_vreg.gather [hbm4b:s5+s2], $0x80, v3, vm0, $0xb8;
	[tilespmem:$0x18100] =	vst v63  }
0x69: {  	v3 =	vld [tilespmem:$0x30];
	_ =	sdelay $0x4  }
0x6a: {  	v59 =	vshrl.u32 v3, $0x3  }
0x6b: {  	v4 =	vmul.u32 $0x30, v59  }
0x6c: {  	v3 =	vand.u32 $0x7, v3  }
0x6d: {  	v3 =	vor.u32 v3, v4  }
0x6e: {  	v4 =	vperm.xlane v3, v0;
	_ =	sdelay $0x1  }
0x6f: {  	v4 =	vadd.s32 v1, v4;
	_ =	sdelay $0x3  }
0x70: {  	s0 =	rddreg [dreg:$0x19];
	v3 =	vperm.xlane v3, v2  }
0x71: {  	[tilespmem:s0], [sflag:$0x1] =	stream.indirect_vreg.gather [hbm4b:s3+s2], $0x80, v4, vm0, $0xb8;
	[tilespmem:$0x18100] =	vst v63  }
0x72: {  	s10 =	rddreg [dreg:$0x1a];
	v3 =	vadd.s32 v1, v3  }
0x73: {  	[tilespmem:s10], [sflag:$0x1] =	stream.indirect_vreg.gather [hbm4b:s4+s2], $0x80, v4, vm0, $0xb8;
	[tilespmem:$0x18100] =	vst v63  }
0x74: {  	s0 =	rddreg [dreg:$0x1b]  }
0x75: {  	[tilespmem:s0], [sflag:$0x1] =	stream.indirect_vreg.gather [hbm4b:s5+s2], $0x80, v4, vm0, $0xb8;
	[tilespmem:$0x18100] =	vst v63  }
0x76: {  	s10 =	rddreg [dreg:$0x1c]  }
0x77: {  	[tilespmem:s10], [sflag:$0x1] =	stream.indirect_vreg.gather [hbm4b:s3+s2], $0x80, v3, vm0, $0xb8;
	[tilespmem:$0x18100] =	vst v63  }
0x78: {  	s0 =	rddreg [dreg:$0x1d]  }
0x79: {  	[tilespmem:s0], [sflag:$0x1] =	stream.indirect_vreg.gather [hbm4b:s4+s2], $0x80, v3, vm0, $0xb8;
	[tilespmem:$0x18100] =	vst v63  }
0x7a: {  	s10 =	rddreg [dreg:$0x1e]  }
0x7b: {  	[tilespmem:s10], [sflag:$0x1] =	stream.indirect_vreg.gather [hbm4b:s5+s2], $0x80, v3, vm0, $0xb8;
	[tilespmem:$0x18100] =	vst v63  }
0x7c: {  	v3 =	vld [tilespmem:$0x80];
	_ =	sdelay $0x4  }
0x7d: {  	v60 =	vshrl.u32 v3, $0x3  }
0x7e: {  	v4 =	vmul.u32 $0x30, v60  }
0x7f: {  	v3 =	vand.u32 $0x7, v3  }
0x80: {  	v3 =	vor.u32 v3, v4  }
0x81: {  	v4 =	vperm.xlane v3, v0;
	_ =	sdelay $0x1  }
0x82: {  	v4 =	vadd.s32 v1, v4;
	_ =	sdelay $0x3  }
0x83: {  	s0 =	rddreg [dreg:$0x1f];
	v3 =	vperm.xlane v3, v2  }
0x84: {  	[tilespmem:s9], [sflag:$0x1] =	stream.indirect_vreg.gather [hbm4b:s3+s2], $0x80, v4, vm0, $0xb8;
	[tilespmem:$0x18100] =	vst v63  }
0x85: {  	s10 =	sld [smem:$0x7FD];
	v3 =	vadd.s32 v1, v3  }
0x86: {  	[tilespmem:s0], [sflag:$0x1] =	stream.indirect_vreg.gather [hbm4b:s4+s2], $0x80, v4, vm0, $0xb8;
	[tilespmem:$0x18100] =	vst v63  }
0x87: {  	_ = 	snop  }
0x88: {  	[tilespmem:s10], [sflag:$0x1] =	stream.indirect_vreg.gather [hbm4b:s5+s2], $0x80, v4, vm0, $0xb8;
	[tilespmem:$0x18100] =	vst v63  }
0x89: {  	s10 =	simm.s32 $0xD900  }
0x8a: {  	[tilespmem:s10], [sflag:$0x1] =	stream.indirect_vreg.gather [hbm4b:s3+s2], $0x80, v3, vm0, $0xb8;
	[tilespmem:$0x18100] =	vst v63  }
0x8b: {  	_ = 	snop  }
0x8c: {  	[tilespmem:s11], [sflag:$0x1] =	stream.indirect_vreg.gather [hbm4b:s4+s2], $0x80, v3, vm0, $0xb8;
	[tilespmem:$0x18100] =	vst v63  }
0x8d: {  	_ = 	snop  }
0x8e: {  	[tilespmem:s12], [sflag:$0x1] =	stream.indirect_vreg.gather [hbm4b:s5+s2], $0x80, v3, vm0, $0xb8;
	[tilespmem:$0x18100] =	vst v63  }
0x8f: {  	v3 =	vld [tilespmem:$0x90];
	_ =	sdelay $0x4  }
0x90: {  	v61 =	vshrl.u32 v3, $0x3  }
0x91: {  	v4 =	vmul.u32 $0x30, v61  }
0x92: {  	v3 =	vand.u32 $0x7, v3  }
0x93: {  	v3 =	vor.u32 v3, v4  }
0x94: {  	v4 =	vperm.xlane v3, v0;
	_ =	sdelay $0x1  }
0x95: {  	v4 =	vadd.s32 v1, v4;
	_ =	sdelay $0x3  }
0x96: {  	v3 =	vperm.xlane v3, v2  }
0x97: {  	[tilespmem:s13], [sflag:$0x1] =	stream.indirect_vreg.gather [hbm4b:s3+s2], $0x80, v4, vm0, $0xb8;
	[tilespmem:$0x18100] =	vst v63  }
0x98: {  	v3 =	vadd.s32 v1, v3  }
0x99: {  	[tilespmem:s14], [sflag:$0x1] =	stream.indirect_vreg.gather [hbm4b:s4+s2], $0x80, v4, vm0, $0xb8;
	[tilespmem:$0x18100] =	vst v63  }
0x9a: {  	_ = 	snop  }
0x9b: {  	[tilespmem:s15], [sflag:$0x1] =	stream.indirect_vreg.gather [hbm4b:s5+s2], $0x80, v4, vm0, $0xb8;
	[tilespmem:$0x18100] =	vst v63  }
0x9c: {  	_ = 	snop  }
0x9d: {  	[tilespmem:s16], [sflag:$0x1] =	stream.indirect_vreg.gather [hbm4b:s3+s2], $0x80, v3, vm0, $0xb8;
	[tilespmem:$0x18100] =	vst v63  }
0x9e: {  	_ = 	snop  }
0x9f: {  	[tilespmem:s17], [sflag:$0x1] =	stream.indirect_vreg.gather [hbm4b:s4+s2], $0x80, v3, vm0, $0xb8;
	[tilespmem:$0x18100] =	vst v63  }
0xa0: {  	_ = 	snop  }
0xa1: {  	[tilespmem:s18], [sflag:$0x1] =	stream.indirect_vreg.gather [hbm4b:s5+s2], $0x80, v3, vm0, $0xb8;
	[tilespmem:$0x18100] =	vst v63  }
0xa2: {  	v3 =	vld [tilespmem:$0xA0];
	_ =	sdelay $0x4  }
0xa3: {  	v62 =	vshrl.u32 v3, $0x3  }
0xa4: {  	v4 =	vmul.u32 $0x30, v62  }
0xa5: {  	v3 =	vand.u32 $0x7, v3  }
0xa6: {  	v3 =	vor.u32 v3, v4  }
0xa7: {  	v4 =	vperm.xlane v3, v0;
	_ =	sdelay $0x1  }
0xa8: {  	v4 =	vadd.s32 v1, v4;
	_ =	sdelay $0x3  }
0xa9: {  	v3 =	vperm.xlane v3, v2  }
0xaa: {  	[tilespmem:s19], [sflag:$0x1] =	stream.indirect_vreg.gather [hbm4b:s3+s2], $0x80, v4, vm0, $0xb8;
	[tilespmem:$0x18100] =	vst v63  }
0xab: {  	v3 =	vadd.s32 v1, v3  }
0xac: {  	[tilespmem:s20], [sflag:$0x1] =	stream.indirect_vreg.gather [hbm4b:s4+s2], $0x80, v4, vm0, $0xb8;
	[tilespmem:$0x18100] =	vst v63  }
0xad: {  	_ = 	snop  }
0xae: {  	[tilespmem:s21], [sflag:$0x1] =	stream.indirect_vreg.gather [hbm4b:s5+s2], $0x80, v4, vm0, $0xb8;
	[tilespmem:$0x18100] =	vst v63  }
0xaf: {  	_ = 	snop  }
0xb0: {  	[tilespmem:s22], [sflag:$0x1] =	stream.indirect_vreg.gather [hbm4b:s3+s2], $0x80, v3, vm0, $0xb8;
	[tilespmem:$0x18100] =	vst v63  }
0xb1: {  	_ = 	snop  }
0xb2: {  	[tilespmem:s23], [sflag:$0x1] =	stream.indirect_vreg.gather [hbm4b:s4+s2], $0x80, v3, vm0, $0xb8;
	[tilespmem:$0x18100] =	vst v63  }
0xb3: {  	_ = 	snop  }
0xb4: {  	[tilespmem:s24], [sflag:$0x1] =	stream.indirect_vreg.gather [hbm4b:s5+s2], $0x80, v3, vm0, $0xb8;
	[tilespmem:$0x18100] =	vst v63  }
0xb5: {  	v3 =	vld [tilespmem:$0xB0];
	_ =	sdelay $0x4  }
0xb6: {  	v63 =	vshrl.u32 v3, $0x3  }
0xb7: {  	v4 =	vmul.u32 $0x30, v63  }
0xb8: {  	v3 =	vand.u32 $0x7, v3  }
0xb9: {  	v3 =	vor.u32 v3, v4  }
0xba: {  	v4 =	vperm.xlane v3, v0;
	_ =	sdelay $0x1  }
0xbb: {  	v4 =	vadd.s32 v1, v4;
	_ =	sdelay $0x3  }
0xbc: {  	v3 =	vperm.xlane v3, v2  }
0xbd: {  	[tilespmem:s25], [sflag:$0x1] =	stream.indirect_vreg.gather [hbm4b:s3+s2], $0x80, v4, vm0, $0xb8;
	[tilespmem:$0x18100] =	vst v63  }
0xbe: {  	v3 =	vadd.s32 v1, v3  }
0xbf: {  	[tilespmem:s26], [sflag:$0x1] =	stream.indirect_vreg.gather [hbm4b:s4+s2], $0x80, v4, vm0, $0xb8;
	[tilespmem:$0x18100] =	vst v63  }
0xc0: {  	_ = 	snop  }
0xc1: {  	[tilespmem:s28], [sflag:$0x1] =	stream.indirect_vreg.gather [hbm4b:s5+s2], $0x80, v4, vm0, $0xb8;
	[tilespmem:$0x18100] =	vst v63  }
0xc2: {  	_ = 	snop  }
0xc3: {  	[tilespmem:s29], [sflag:$0x1] =	stream.indirect_vreg.gather [hbm4b:s3+s2], $0x80, v3, vm0, $0xb8;
	[tilespmem:$0x18100] =	vst v63  }
0xc4: {  	_ = 	snop  }
0xc5: {  	[tilespmem:s30], [sflag:$0x1] =	stream.indirect_vreg.gather [hbm4b:s4+s2], $0x80, v3, vm0, $0xb8;
	[tilespmem:$0x18100] =	vst v63  }
0xc6: {  	_ = 	snop  }
0xc7: {  	[tilespmem:s31], [sflag:$0x1] =	stream.indirect_vreg.gather [hbm4b:s5+s2], $0x80, v3, vm0, $0xb8;
	[tilespmem:$0x18100] =	vst v63  }
0xc8: {  	_ =	swait.ge [sflag:s1], $0xC000  }
0xc9: {  	[sflag:s1] =	ssyncset.done $0x0  }
0xca: {  	[sflag:s1] =	ssyncadd.s32 $0xFFFF4000  }
0xcb: {  	_ =	swait.ge [sflag:s1], $0xC000  }
0xcc: {  	[sflag:s1] =	ssyncset.done $0x0  }
0xcd: {  	s10 =	rddreg [dreg:$0x5];
	[sflag:s1] =	ssyncadd.s32 $0xFFFF4000  }
0xce: {  	[hbm4b:s10+s2] =	stream.linear.scatter [tilespmem:s8], [sflag:$0x2], $0xC000, $0x38;
	[tilespmem:$0x18100] =	vst v63  }
0xcf: {  	_ =	swait.ge [sflag:s7], $0xC000  }
0xd0: {  	p0 =	sne.s32 s6, $0x1;
	[sflag:s7] =	ssyncset.done $0x0  }
.Ltmp0:
0xd1: {  	s10 =	rddreg [dreg:$0x6];
	[sflag:s7] =	ssyncadd.s32 $0xFFFF4000;
	(pc) =	sbr.rel @p0 .LBB2_1-.Ltmp0, $4  }
0xd2: {  	[hbm4b:s10+s2] =	stream.linear.scatter [tilespmem:s9], [sflag:$0x2], $0xC000, $0x38;
	[tilespmem:$0x18100] =	vst v63  }
0xd3: {  	_ =	swait.ge [sflag:s7], $0xC000  }
0xd4: {  	[sflag:s7] =	ssyncset.done $0x0  }
0xd5: {  	s6 =	sadd.s32 $0xFFFFFFFF, s6;
	[sflag:s7] =	ssyncadd.s32 $0xFFFF4000  }
0xd6: {  	_ =	sfence.sel $0x180000  }
0xd7: {  	[bflag:$0x0] =	sbarrier.arrive $0xFFFF  }
0xd8: {  	_ =	strace $0x9000004A  }
0xd9: {  	s0 =	stileid.u32;
	[bflag:$0x2] =	sbarrier.arrive $0xFFFF  }
0xda: {  	p0 =	sne.s32 s0, $0x0;
	s0 =	rddreg [dreg:$0x2]  }
0xdb: {  	s0 =	sadd.s32 @!p0 $0x100000, s0  }
0xdc: {  	[sflag:s0] =	ssyncadd.tile.s32 @!p0 $0x1;
	_ =	shalt  }
.Lfunc_end2:
_tile_overlayer_lowered:
.L_overlay_start_2:
0xdd: {  	(tag) =	ssettag $0x2  }
0xde: {  	s0 =	rddreg [dreg:$0x0];
	s2 =	stileid.u32  }
0xdf: {  	s1 =	rddreg [dreg:$0x1];
	p0 =	sne.s32 s2, $0x0  }
0xe0: {  	s3 =	rddreg [dreg:$0x2];
	[bflag:$0x3] =	sbarrier.arrive $0xFFFF;
	s2 =	simm.s32 @!p0 $0x1C02  }
0xe1: {  	[timem:s3], [sflag:s2] =	dma.local @!p0 [hbm:s0], s1  }
0xe2: {  	s0 =	simm.s32 @!p0 $0x2  }
0xe3: {  	_ =	swait.ge @!p0 [sflag:s0], s1  }
0xe4: {  	s1 =	ssub.s32 @!p0 $0x0, s1;
	[sflag:s0] =	ssyncset.done @!p0 $0x0  }
0xe5: {  	[sflag:s0] =	ssyncadd.s32 @!p0 s1  }
0xe6: {  	[bflag:$0x3] =	sbarrier.arrive $0xFFFF  }
0xe7: {  	_ =	shalt  }

// kernel: kernel.8.cloned.1.call-start
scs
__scs_entry_jumppad:
0x0: {  	(pc) =	sbr.rel $0x88, $3  }
0x1: {  	(tag) =	ssettag $0x0;
	lr =	simm.s32 $0x1  }
0x2: {  	[smem:$0x3F98] =	sst lr;
	_ =	strace $0xD0000000  }
0x3: {  	_ = 	snop  }
0x4: {  	_ = 	snop  }
0x5: {  	_ = 	snop  }
0x6: {  	_ = 	snop  }
0x7: {  	_ = 	snop  }
__scs_overlays_trampoline_lowered:
0x8: {  	[smem:$0x3FA7] =	sst s0  }
0x9: {  	[smem:$0x3FA8] =	sst s1  }
0xa: {  	[smem:$0x3FA9] =	sst s2  }
0xb: {  	[smem:$0x3FAA] =	sst s3  }
0xc: {  	[smem:$0x3FAB] =	sst s4  }
0xd: {  	[smem:$0x3FAC] =	sst s5  }
0xe: {  	[smem:$0x3FAD] =	sst s6  }
0xf: {  	[smem:$0x3FAE] =	sst s7  }
0x10: {  	[smem:$0x3FAF] =	sst s8  }
0x11: {  	[smem:$0x3FB0] =	sst s9;
	s0 =	simm.s32 @!p0 $0x0  }
0x12: {  	s1 =	sld [smem:$0x3F96];
	s0 =	simm.s32 @p0 $0x1  }
0x13: {  	[smem:$0x3FB1] =	sst s0;
	s0 =	simm.s32 @!p1 $0x0  }
0x14: {  	s2 =	sld [smem:$0x3F95];
	s0 =	simm.s32 @p1 $0x1  }
0x15: {  	[smem:$0x3FB2] =	sst s0;
	s0 =	simm.s32 @!p2 $0x0  }
0x16: {  	s3 =	sld [smem:$0x3FDB];
	s0 =	simm.s32 @p2 $0x1  }
0x17: {  	s4 =	simm.s32 $0x1BF5;
	[smem:$0x3FB4] =	sst s0  }
0x18: {  	s0 =	sld [smem:$0x3F97];
	_ =	swait.ge [sflag:s4], $0x0  }
0x19: {  	s7 =	sld [smem:$0x3F98]  }
0x1a: {  	s8 =	sadd.s32 $0xFFFFE003, lr  }
0x1b: {  	s9 =	sadd.s32 $0xFFFFFEF7, lr;
	s5 =	simm.s32 $0xFFFFFFFF;
	p2 =	slt.u32 s8, $0xFFFFF086  }
0x1c: {  	p1 =	slt.u32 s9, $0xF7A;
	s5 =	simm.s32 @!p2 $0x0  }
0x1d: {  	s5 =	simm.s32 @p1 $0x1;
	p0 =	seq.s32 s7, s2  }
0x1e: {  	s7 =	smul.u32 @!p0 $0xF7A, s2;
	p2 =	seq.s32 @!p0 s5, $0x0  }
0x1f: {  	s9 =	smul.u32 $0xF7A, s1;
	s8 =	simm.s32 @!p0 $0x1BF5;
	p2 =	por !p2, p0  }
0x20: {  	[sflag:s8] =	ssyncset.s32 @!p0 $0xFFFFF086;
	s6 =	sadd.s32 @!p0 s3, s7;
	s7 =	simm.s32 @!p0 $0x108  }
0x21: {  	s3 =	sadd.s32 s3, s9;
	s6 =	sadd.s32 @!p0 $0x88, s6;
	s7 =	simm.s32 @p2 $0x1082  }
0x22: {  	[simem:s7], [sflag:s8] =	dma.local @!p0 [hbm:s6], $0xF7A  }
0x23: {  	s9 =	sor.u32 $0xD0000000, s2;
	s6 =	simm.s32 $0x108;
	_ =	swait.ge @!p0 [sflag:s8], $0x0  }
0x24: {  	s3 =	sadd.s32 $0x88, s3;
	s6 =	simm.s32 @!p1 $0x1082;
	[sflag:s4] =	ssyncset.s32 $0xFFFFF086  }
0x25: {  	[simem:s6], [sflag:s4] =	dma.local [hbm:s3], $0xF7A  }
0x26: {  	[smem:$0x3F98] =	sst s1;
	(tag) =	ssettag s2;
	_ =	strace s9  }
0x27: {  	s1 =	sld [smem:$0x3FA8]  }
0x28: {  	s2 =	sld [smem:$0x3FA9]  }
0x29: {  	s4 =	sld [smem:$0x3FAB]  }
0x2a: {  	p0 =	seq.s32 s5, $0x0;
	s5 =	sld [smem:$0x3FAC]  }
0x2b: {  	s6 =	sld [smem:$0x3FAD]  }
0x2c: {  	s7 =	sld [smem:$0x3FAE]  }
0x2d: {  	s3 =	simm.s32 $0x108;
	s8 =	sld [smem:$0x3FAF]  }
0x2e: {  	s3 =	simm.s32 @!p0 $0x1082;
	s9 =	sld [smem:$0x3FB0]  }
0x2f: {  	lr =	sadd.s32 s0, s3;
	s0 =	sld [smem:$0x3FA7]  }
0x30: {  	s3 =	sld [smem:$0x3FAA]  }
0x31: {  	[smem:$0x3FB3] =	sst s10  }
0x32: {  	s10 =	sld [smem:$0x3FB1];
	_ =	sdelay $0x3  }
0x33: {  	p0 =	seq.s32 s10, $0x1;
	s10 =	sld [smem:$0x3FB3];
	_ =	sdelay $0x3  }
0x34: {  	[smem:$0x3FB3] =	sst s10  }
0x35: {  	s10 =	sld [smem:$0x3FB2];
	_ =	sdelay $0x3  }
0x36: {  	p1 =	seq.s32 s10, $0x1;
	s10 =	sld [smem:$0x3FB3];
	_ =	sdelay $0x3  }
0x37: {  	[smem:$0x3FB3] =	sst s10  }
0x38: {  	s10 =	sld [smem:$0x3FB4]  }
0x39: {  	_ = 	snop;
	(pc) =	sbr.ind lr, $3  }
0x3a: {  	_ = 	snop  }
0x3b: {  	_ = 	snop  }
0x3c: {  	p2 =	seq.s32 s10, $0x1;
	s10 =	sld [smem:$0x3FB3]  }
0x3d: {  	_ =	shalt  }
0x3e: {  	_ =	shalt  }
0x3f: {  	_ =	shalt  }
0x40: {  	_ =	shalt  }
0x41: {  	_ =	shalt  }
0x42: {  	_ =	shalt  }
0x43: {  	_ =	shalt  }
0x44: {  	_ =	shalt  }
0x45: {  	_ =	shalt  }
0x46: {  	_ =	shalt  }
0x47: {  	_ =	shalt  }
0x48: {  	_ =	shalt  }
0x49: {  	_ =	shalt  }
0x4a: {  	_ =	shalt  }
0x4b: {  	_ =	shalt  }
0x4c: {  	_ =	shalt  }
0x4d: {  	_ =	shalt  }
0x4e: {  	_ =	shalt  }
0x4f: {  	_ =	shalt  }
0x50: {  	_ =	shalt  }
0x51: {  	_ =	shalt  }
0x52: {  	_ =	shalt  }
0x53: {  	_ =	shalt  }
0x54: {  	_ =	shalt  }
0x55: {  	_ =	shalt  }
0x56: {  	_ =	shalt  }
0x57: {  	_ =	shalt  }
0x58: {  	_ =	shalt  }
0x59: {  	_ =	shalt  }
0x5a: {  	_ =	shalt  }
0x5b: {  	_ =	shalt  }
0x5c: {  	_ =	shalt  }
0x5d: {  	_ =	shalt  }
0x5e: {  	_ =	shalt  }
0x5f: {  	_ =	shalt  }
0x60: {  	_ =	shalt  }
0x61: {  	_ =	shalt  }
0x62: {  	_ =	shalt  }
0x63: {  	_ =	shalt  }
0x64: {  	_ =	shalt  }
0x65: {  	_ =	shalt  }
0x66: {  	_ =	shalt  }
0x67: {  	_ =	shalt  }
0x68: {  	_ =	shalt  }
0x69: {  	_ =	shalt  }
0x6a: {  	_ =	shalt  }
0x6b: {  	_ =	shalt  }
0x6c: {  	_ =	shalt  }
0x6d: {  	_ =	shalt  }
0x6e: {  	_ =	shalt  }
0x6f: {  	_ =	shalt  }
0x70: {  	_ =	shalt  }
0x71: {  	_ =	shalt  }
0x72: {  	_ =	shalt  }
0x73: {  	_ =	shalt  }
0x74: {  	_ =	shalt  }
0x75: {  	_ =	shalt  }
0x76: {  	_ =	shalt  }
0x77: {  	_ =	shalt  }
0x78: {  	_ =	shalt  }
0x79: {  	_ =	shalt  }
0x7a: {  	_ =	shalt  }
0x7b: {  	_ =	shalt  }
0x7c: {  	_ =	shalt  }
0x7d: {  	_ =	shalt  }
0x7e: {  	_ =	shalt  }
0x7f: {  	_ =	shalt  }
0x80: {  	_ =	shalt  }
0x81: {  	_ =	shalt  }
0x82: {  	_ =	shalt  }
0x83: {  	_ =	shalt  }
0x84: {  	_ =	shalt  }
0x85: {  	_ =	shalt  }
0x86: {  	_ =	shalt  }
0x87: {  	_ =	shalt  }
.Lfunc_end0:
.L_simem_size_0:
called_computation_lowered:
.L_overlay_start_0:
0x88: {  	s2 =	sld [smem:$0x3FD9]  }
0x89: {  	s3 =	sld [smem:$0x3FFE];
	_ =	sdelay $0x1  }
0x8a: {  	s1 =	srdreg.scid  }
0x8b: {  	s0 =	sand.u32 $0x1, s1  }
0x8c: {  	s17 =	sshll.u32 s0, $0xA;
	s2 =	sadd.s32 s3, s2  }
0x8d: {  	s2 =	sadd.s32 s2, s17  }
0x8e: {  	[smem:$0x3FBF] =	sst s2  }
0x8f: {  	_ = 	snop  }
0x90: {  	s2 =	sld [smem:$0x3FC9];
	(tm) =	ssettm $0x1  }
0x91: {  	s18 =	sld [smem:$0x3FFB];
	_ =	sdelay $0x3  }
0x92: {  	_ =	strace s18  }
0x93: {  	s3 =	sld [smem:$0x3FFC];
	_ =	sdelay $0x3  }
0x94: {  	_ =	strace s3  }
0x95: {  	s3 =	sld [smem:$0x3FFD];
	_ =	sdelay $0x3  }
0x96: {  	_ =	strace s3  }
0x97: {  	_ =	strace $0x8FFFFFFF  }
0x98: {  	s19 =	sld [smem:$0x3FDB];
	_ =	sdelay $0x1  }
0x99: {  	s4 =	simm.s32 $_scs_section_size  }
0x9a: {  	s5 =	simm.s32 $_size__tile_overlayer_lowered;
	s6 =	simm.s32 $_tile_overlayer_lowered  }
0x9b: {  	s22 =	simm.s32 $0x1BFF;
	s21 =	sshll.u32 s6, $0x1;
	s3 =	sadd.s32 s4, s19  }
0x9c: {  	s7 =	simm.s32 $0x0;
	s20 =	sshll.u32 s5, $0x1;
	s5 =	sadd.s32 s21, s3  }
0x9d: {  	[timem:s7], [sflag:s22] =	dma.local [hbm:s5], s20  }
0x9e: {  	_ =	swait.ge [sflag:s22], s20  }
0x9f: {  	s4 =	ssub.s32 $0x0, s20;
	[sflag:s22] =	ssyncset.done $0x0  }
0xa0: {  	[sflag:s22] =	ssyncadd.s32 s4;
	_ =	sdelay $0x1  }
0xa1: {  	s23 =	simm.s32 $0x1B8B  }
0xa2: {  	_ =	swait.ge [sflag:s23], $0x1  }
0xa3: {  	[sflag:s23] =	ssyncset.done $0x0  }
0xa4: {  	s25 =	simm.s32 $0x1B8E;
	s24 =	sld [smem:$0x3FFE];
	[sflag:s23] =	ssyncadd.s32 $0xFFFFFFFF  }
0xa5: {  	s26 =	simm.s32 $execute0_lowered;
	[smem:$0x3FD2] =	sst s25  }
0xa6: {  	s5 =	sshll.u32 s26, $0x1;
	_ =	strace $0x80000046;
	[dreg:$0x1] =	wrdreg $0xFFFFFFFF  }
0xa7: {  	s28 =	simm.s32 $_size_execute0_lowered;
	s3 =	sadd.s32 s3, s5;
	[dreg:$0x0] =	wrdreg $0x0  }
0xa8: {  	s5 =	sshll.u32 s28, $0x1;
	[dreg:$0x2] =	wrdreg s3  }
0xa9: {  	[dreg:$0x3] =	wrdreg s5  }
0xaa: {  	[dreg:$0x4] =	wrdreg $0xC0  }
0xab: {  	_ =	task [dreg:s7], $0x5FFFF  }
0xac: {  	[dreg:$0x1] =	wrdreg $0xFFFFFFFF  }
0xad: {  	[dreg:$0x0] =	wrdreg $0x60  }
0xae: {  	[dreg:$0x2] =	wrdreg s2  }
0xaf: {  	[dreg:$0x3] =	wrdreg s24  }
0xb0: {  	[dreg:$0x4] =	wrdreg $0x9  }
0xb1: {  	_ =	task.clear_ibuf [dreg:s7], $0x5FFFF;
	_ =	strace $0x90000046  }
0xb2: {  	s29 =	simm.s32 $0x9;
	_ =	strace $0x80000048  }
0xb3: {  	_ =	swait.ge [sflag:s29], $0x1  }
0xb4: {  	[sflag:s29] =	ssyncadd.s32 $0xFFFFFFFF  }
0xb5: {  	_ =	strace $0x90000048  }
0xb6: {  	_ =	sfence  }
0xb7: {  	s30 =	sld [smem:$0x0];
	_ =	sdelay $0x2  }
0xb8: {  	s31 =	sshll.u32 s1, $0xD;
	s1 =	sshrl.u32 s1, $0x2  }
0xb9: {  	s3 =	sand.u32 $0x4000, s31;
	s1 =	sadd.s32 s1, s30  }
0xba: {  	s0 =	sor.u32 s3, s0;
	s1 =	sshll.u32 s1, $0x11  }
0xbb: {  	s0 =	sor.u32 s1, s0  }
0xbc: {  	s0 =	sadd.s32 $0x8F2B, s0  }
0xbd: {  	[sflag:s0] =	ssyncadd.remote.s32 $0x1  }
0xbe: {  	_ =	sfence.sel $0xFFFF  }
0xbf: {  	[dreg:$0x0] =	wrdreg $0xFFFFFFFF;
	(pc) =	sbr.abs _section_cstart, $3  }
0xc0: {  	[dreg:$0x1] =	wrdreg $0xFFFFFFFF  }
0xc1: {  	_ =	task.clear_ibuf [dreg:s7], $0x2FFFF;
	_ =	strace $0x9FFFFFFF  }
0xc2: {  	(tm) =	ssettm $0x7FFFFFFF  }
0xc3: {  	_ =	shalt  }
tec
execute0_lowered:
.L_overlay_start_1:
0x0: {  	(tag) =	ssettag $0x1  }
0x1: {  	s0 =	rddreg [dreg:$0x0]  }
0x2: {  	s1 =	rddreg [dreg:$0x1]  }
0x3: {  	s2 =	srdreg.scid;
	s3 =	stileid.u32  }
0x4: {  	s26 =	simm.s32 $0x80;
	s8 =	simm.s32 $0x100;
	s11 =	simm.s32 $0x1900  }
0x5: {  	s12 =	simm.s32 $0x2100;
	s13 =	simm.s32 $0x2900;
	s14 =	simm.s32 $0x3100  }
0x6: {  	s15 =	simm.s32 $0x3900;
	s16 =	simm.s32 $0x4100;
	s17 =	simm.s32 $0x4900  }
0x7: {  	s18 =	simm.s32 $0x5100;
	s19 =	simm.s32 $0x5900;
	s20 =	simm.s32 $0x6100  }
0x8: {  	s21 =	simm.s32 $0x6900;
	s22 =	simm.s32 $0x7100;
	s23 =	simm.s32 $0x7900  }
0x9: {  	s28 =	simm.s32 $0x9900;
	s29 =	simm.s32 $0xA100;
	s30 =	simm.s32 $0xA900  }
0xa: {  	s31 =	simm.s32 $0xB100;
	s4 =	sand.u32 $0x1, s2;
	s2 =	simm.s32 $0x0  }
0xb: {  	s3 =	sshll.u32 s3, $0x4;
	s5 =	sshll.u32 s4, $0x3;
	[smem:$0x7FF] =	sst s2  }
0xc: {  	s4 =	ssub.s32 $0x2, s4;
	s5 =	sor.u32 s5, s3;
	_ =	strace $0x80000047  }
0xd: {  	s3 =	sadd.s32 $0x2E00, s1;
	s24 =	sshrl.u32 s4, $0x1;
	[dreg:$0x6] =	wrdreg s26  }
0xe: {  	s26 =	simm.s32 $0x9100;
	s6 =	sadd.s32 s5, s1;
	s5 =	smul.u32 $0x300, s5  }
0xf: {  	s25 =	ssub.s32 s4, s24;
	s4 =	sadd.s32 $0x2F00, s1;
	s7 =	sadd.s32 $0x2C00, s6  }
0x10: {  	s24 =	simm.s32 $0x8100;
	s6 =	sadd.s32 $0x2D00, s6;
	[dreg:$0x3] =	wrdreg s7  }
0x11: {  	v2 =	vlaneseq.u32;
	[dreg:$0x4] =	wrdreg s6;
	s0 =	sadd.s32 s0, s5;
	s5 =	sadd.s32 $0x3000, s1  }
0x12: {  	vm0 =	vmmov $0xffff;
	v1 =	vshrl.u32 v2, $0x3;
	s6 =	smax.u32 s25, $0x1;
	s7 =	simm.s32 $0x2;
	s25 =	simm.s32 $0x8900  }
0x13: {  	v0 =	vand.u32 $0x7, v2;
	v2 =	vor.u32 $0x8, v2;
	v1 =	vmul.u32 $0x8, v1;
	s1 =	simm.s32 $0x1;
	[dreg:$0x5] =	wrdreg s0;
	s0 =	simm.s32 $0xB900  }
.LBB2_1:
0x14: {  	s9 =	rddreg [dreg:$0x3]  }
0x15: {  	[tilespmem:s2], [sflag:$0x2] =	stream.linear.gather [hbm4b:s9+s2], $0x40, $0x38;
	[tilespmem:$0xC100] =	vst v63  }
0x16: {  	_ =	swait.ge [sflag:s7], $0x40  }
0x17: {  	s9 =	rddreg [dreg:$0x4];
	[sflag:s7] =	ssyncset.done $0x0  }
0x18: {  	s10 =	rddreg [dreg:$0x6];
	[sflag:s7] =	ssyncadd.s32 $0xFFFFFFC0  }
0x19: {  	[tilespmem:s10], [sflag:$0x2] =	stream.linear.gather [hbm4b:s9+s2], $0x40, $0x38;
	[tilespmem:$0xC100] =	vst v63  }
0x1a: {  	_ =	swait.ge [sflag:s7], $0x40  }
0x1b: {  	[sflag:s7] =	ssyncset.done $0x0  }
0x1c: {  	s10 =	rddreg [dreg:$0x5];
	[sflag:s7] =	ssyncadd.s32 $0xFFFFFFC0  }
0x1d: {  	[tilespmem:s8], [sflag:$0x2] =	stream.linear.gather [hbm4b:s10+s2], $0xC000, $0x38;
	[tilespmem:$0xC100] =	vst v63  }
0x1e: {  	_ =	swait.ge [sflag:s7], $0xC000  }
0x1f: {  	[sflag:s7] =	ssyncset.done $0x0  }
0x20: {  	[sflag:s7] =	ssyncadd.s32 $0xFFFF4000  }
0x21: {  	v3 =	vld [tilespmem:$0x0];
	_ =	sdelay $0x4  }
0x22: {  	v4 =	vshrl.u32 v3, $0x3  }
0x23: {  	v4 =	vmul.u32 $0x30, v4  }
0x24: {  	v3 =	vand.u32 $0x7, v3  }
0x25: {  	v3 =	vor.u32 v3, v4  }
0x26: {  	v4 =	vperm.xlane v3, v0;
	_ =	sdelay $0x1  }
0x27: {  	v4 =	vadd.s32 v1, v4;
	_ =	sdelay $0x3  }
0x28: {  	v3 =	vperm.xlane v3, v2  }
0x29: {  	[hbm4b:s3+s2] =	stream.indirect_vreg.scatter [tilespmem:s8], [sflag:$0x1], $0x80, v4, vm0, $0xb8;
	[tilespmem:$0xC100] =	vst v63  }
0x2a: {  	s9 =	simm.s32 $0x900;
	v3 =	vadd.s32 v1, v3  }
0x2b: {  	[hbm4b:s4+s2] =	stream.indirect_vreg.scatter [tilespmem:s9], [sflag:$0x1], $0x80, v4, vm0, $0xb8;
	[tilespmem:$0xC100] =	vst v63  }
0x2c: {  	s10 =	simm.s32 $0x1100  }
0x2d: {  	[hbm4b:s5+s2] =	stream.indirect_vreg.scatter [tilespmem:s10], [sflag:$0x1], $0x80, v4, vm0, $0xb8;
	[tilespmem:$0xC100] =	vst v63  }
0x2e: {  	_ = 	snop  }
0x2f: {  	[hbm4b:s3+s2] =	stream.indirect_vreg.scatter [tilespmem:s11], [sflag:$0x1], $0x80, v3, vm0, $0xb8;
	[tilespmem:$0xC100] =	vst v63  }
0x30: {  	_ = 	snop  }
0x31: {  	[hbm4b:s4+s2] =	stream.indirect_vreg.scatter [tilespmem:s12], [sflag:$0x1], $0x80, v3, vm0, $0xb8;
	[tilespmem:$0xC100] =	vst v63  }
0x32: {  	_ = 	snop  }
0x33: {  	[hbm4b:s5+s2] =	stream.indirect_vreg.scatter [tilespmem:s13], [sflag:$0x1], $0x80, v3, vm0, $0xb8;
	[tilespmem:$0xC100] =	vst v63  }
0x34: {  	v3 =	vld [tilespmem:$0x10];
	_ =	sdelay $0x4  }
0x35: {  	v57 =	vshrl.u32 v3, $0x3  }
0x36: {  	v4 =	vmul.u32 $0x30, v57  }
0x37: {  	v3 =	vand.u32 $0x7, v3  }
0x38: {  	v3 =	vor.u32 v3, v4  }
0x39: {  	v4 =	vperm.xlane v3, v0;
	_ =	sdelay $0x1  }
0x3a: {  	v4 =	vadd.s32 v1, v4;
	_ =	sdelay $0x3  }
0x3b: {  	v3 =	vperm.xlane v3, v2  }
0x3c: {  	[hbm4b:s3+s2] =	stream.indirect_vreg.scatter [tilespmem:s14], [sflag:$0x1], $0x80, v4, vm0, $0xb8;
	[tilespmem:$0xC100] =	vst v63  }
0x3d: {  	v3 =	vadd.s32 v1, v3  }
0x3e: {  	[hbm4b:s4+s2] =	stream.indirect_vreg.scatter [tilespmem:s15], [sflag:$0x1], $0x80, v4, vm0, $0xb8;
	[tilespmem:$0xC100] =	vst v63  }
0x3f: {  	_ = 	snop  }
0x40: {  	[hbm4b:s5+s2] =	stream.indirect_vreg.scatter [tilespmem:s16], [sflag:$0x1], $0x80, v4, vm0, $0xb8;
	[tilespmem:$0xC100] =	vst v63  }
0x41: {  	_ = 	snop  }
0x42: {  	[hbm4b:s3+s2] =	stream.indirect_vreg.scatter [tilespmem:s17], [sflag:$0x1], $0x80, v3, vm0, $0xb8;
	[tilespmem:$0xC100] =	vst v63  }
0x43: {  	_ = 	snop  }
0x44: {  	[hbm4b:s4+s2] =	stream.indirect_vreg.scatter [tilespmem:s18], [sflag:$0x1], $0x80, v3, vm0, $0xb8;
	[tilespmem:$0xC100] =	vst v63  }
0x45: {  	_ = 	snop  }
0x46: {  	[hbm4b:s5+s2] =	stream.indirect_vreg.scatter [tilespmem:s19], [sflag:$0x1], $0x80, v3, vm0, $0xb8;
	[tilespmem:$0xC100] =	vst v63  }
0x47: {  	v3 =	vld [tilespmem:$0x20];
	_ =	sdelay $0x4  }
0x48: {  	v58 =	vshrl.u32 v3, $0x3  }
0x49: {  	v4 =	vmul.u32 $0x30, v58  }
0x4a: {  	v3 =	vand.u32 $0x7, v3  }
0x4b: {  	v3 =	vor.u32 v3, v4  }
0x4c: {  	v4 =	vperm.xlane v3, v0;
	_ =	sdelay $0x1  }
0x4d: {  	v4 =	vadd.s32 v1, v4;
	_ =	sdelay $0x3  }
0x4e: {  	v3 =	vperm.xlane v3, v2  }
0x4f: {  	[hbm4b:s3+s2] =	stream.indirect_vreg.scatter [tilespmem:s20], [sflag:$0x1], $0x80, v4, vm0, $0xb8;
	[tilespmem:$0xC100] =	vst v63  }
0x50: {  	v3 =	vadd.s32 v1, v3  }
0x51: {  	[hbm4b:s4+s2] =	stream.indirect_vreg.scatter [tilespmem:s21], [sflag:$0x1], $0x80, v4, vm0, $0xb8;
	[tilespmem:$0xC100] =	vst v63  }
0x52: {  	_ = 	snop  }
0x53: {  	[hbm4b:s5+s2] =	stream.indirect_vreg.scatter [tilespmem:s22], [sflag:$0x1], $0x80, v4, vm0, $0xb8;
	[tilespmem:$0xC100] =	vst v63  }
0x54: {  	_ = 	snop  }
0x55: {  	[hbm4b:s3+s2] =	stream.indirect_vreg.scatter [tilespmem:s23], [sflag:$0x1], $0x80, v3, vm0, $0xb8;
	[tilespmem:$0xC100] =	vst v63  }
0x56: {  	_ = 	snop  }
0x57: {  	[hbm4b:s4+s2] =	stream.indirect_vreg.scatter [tilespmem:s24], [sflag:$0x1], $0x80, v3, vm0, $0xb8;
	[tilespmem:$0xC100] =	vst v63  }
0x58: {  	_ = 	snop  }
0x59: {  	[hbm4b:s5+s2] =	stream.indirect_vreg.scatter [tilespmem:s25], [sflag:$0x1], $0x80, v3, vm0, $0xb8;
	[tilespmem:$0xC100] =	vst v63  }
0x5a: {  	v3 =	vld [tilespmem:$0x30];
	_ =	sdelay $0x4  }
0x5b: {  	v59 =	vshrl.u32 v3, $0x3  }
0x5c: {  	v4 =	vmul.u32 $0x30, v59  }
0x5d: {  	v3 =	vand.u32 $0x7, v3  }
0x5e: {  	v3 =	vor.u32 v3, v4  }
0x5f: {  	v4 =	vperm.xlane v3, v0;
	_ =	sdelay $0x1  }
0x60: {  	v4 =	vadd.s32 v1, v4;
	_ =	sdelay $0x3  }
0x61: {  	v3 =	vperm.xlane v3, v2  }
0x62: {  	[hbm4b:s3+s2] =	stream.indirect_vreg.scatter [tilespmem:s26], [sflag:$0x1], $0x80, v4, vm0, $0xb8;
	[tilespmem:$0xC100] =	vst v63  }
0x63: {  	v3 =	vadd.s32 v1, v3  }
0x64: {  	[hbm4b:s4+s2] =	stream.indirect_vreg.scatter [tilespmem:s28], [sflag:$0x1], $0x80, v4, vm0, $0xb8;
	[tilespmem:$0xC100] =	vst v63  }
0x65: {  	_ = 	snop  }
0x66: {  	[hbm4b:s5+s2] =	stream.indirect_vreg.scatter [tilespmem:s29], [sflag:$0x1], $0x80, v4, vm0, $0xb8;
	[tilespmem:$0xC100] =	vst v63  }
0x67: {  	_ = 	snop  }
0x68: {  	[hbm4b:s3+s2] =	stream.indirect_vreg.scatter [tilespmem:s30], [sflag:$0x1], $0x80, v3, vm0, $0xb8;
	[tilespmem:$0xC100] =	vst v63  }
0x69: {  	_ = 	snop  }
0x6a: {  	[hbm4b:s4+s2] =	stream.indirect_vreg.scatter [tilespmem:s31], [sflag:$0x1], $0x80, v3, vm0, $0xb8;
	[tilespmem:$0xC100] =	vst v63  }
0x6b: {  	_ = 	snop  }
0x6c: {  	[hbm4b:s5+s2] =	stream.indirect_vreg.scatter [tilespmem:s0], [sflag:$0x1], $0x80, v3, vm0, $0xb8;
	[tilespmem:$0xC100] =	vst v63  }
0x6d: {  	v3 =	vld [tilespmem:$0x80];
	_ =	sdelay $0x4  }
0x6e: {  	v60 =	vshrl.u32 v3, $0x3  }
0x6f: {  	v4 =	vmul.u32 $0x30, v60  }
0x70: {  	v3 =	vand.u32 $0x7, v3  }
0x71: {  	v3 =	vor.u32 v3, v4  }
0x72: {  	v4 =	vperm.xlane v3, v0;
	_ =	sdelay $0x1  }
0x73: {  	v4 =	vadd.s32 v1, v4;
	_ =	sdelay $0x3  }
0x74: {  	v3 =	vperm.xlane v3, v2  }
0x75: {  	[hbm4b:s3+s2] =	stream.indirect_vreg.scatter [tilespmem:s8], [sflag:$0x1], $0x80, v4, vm0, $0xb8;
	[tilespmem:$0xC100] =	vst v63  }
0x76: {  	v3 =	vadd.s32 v1, v3  }
0x77: {  	[hbm4b:s4+s2] =	stream.indirect_vreg.scatter [tilespmem:s9], [sflag:$0x1], $0x80, v4, vm0, $0xb8;
	[tilespmem:$0xC100] =	vst v63  }
0x78: {  	_ = 	snop  }
0x79: {  	[hbm4b:s5+s2] =	stream.indirect_vreg.scatter [tilespmem:s10], [sflag:$0x1], $0x80, v4, vm0, $0xb8;
	[tilespmem:$0xC100] =	vst v63  }
0x7a: {  	_ = 	snop  }
0x7b: {  	[hbm4b:s3+s2] =	stream.indirect_vreg.scatter [tilespmem:s11], [sflag:$0x1], $0x80, v3, vm0, $0xb8;
	[tilespmem:$0xC100] =	vst v63  }
0x7c: {  	_ = 	snop  }
0x7d: {  	[hbm4b:s4+s2] =	stream.indirect_vreg.scatter [tilespmem:s12], [sflag:$0x1], $0x80, v3, vm0, $0xb8;
	[tilespmem:$0xC100] =	vst v63  }
0x7e: {  	_ = 	snop  }
0x7f: {  	[hbm4b:s5+s2] =	stream.indirect_vreg.scatter [tilespmem:s13], [sflag:$0x1], $0x80, v3, vm0, $0xb8;
	[tilespmem:$0xC100] =	vst v63  }
0x80: {  	v3 =	vld [tilespmem:$0x90];
	_ =	sdelay $0x4  }
0x81: {  	v61 =	vshrl.u32 v3, $0x3  }
0x82: {  	v4 =	vmul.u32 $0x30, v61  }
0x83: {  	v3 =	vand.u32 $0x7, v3  }
0x84: {  	v3 =	vor.u32 v3, v4  }
0x85: {  	v4 =	vperm.xlane v3, v0;
	_ =	sdelay $0x1  }
0x86: {  	v4 =	vadd.s32 v1, v4;
	_ =	sdelay $0x3  }
0x87: {  	v3 =	vperm.xlane v3, v2  }
0x88: {  	[hbm4b:s3+s2] =	stream.indirect_vreg.scatter [tilespmem:s14], [sflag:$0x1], $0x80, v4, vm0, $0xb8;
	[tilespmem:$0xC100] =	vst v63  }
0x89: {  	v3 =	vadd.s32 v1, v3  }
0x8a: {  	[hbm4b:s4+s2] =	stream.indirect_vreg.scatter [tilespmem:s15], [sflag:$0x1], $0x80, v4, vm0, $0xb8;
	[tilespmem:$0xC100] =	vst v63  }
0x8b: {  	_ = 	snop  }
0x8c: {  	[hbm4b:s5+s2] =	stream.indirect_vreg.scatter [tilespmem:s16], [sflag:$0x1], $0x80, v4, vm0, $0xb8;
	[tilespmem:$0xC100] =	vst v63  }
0x8d: {  	_ = 	snop  }
0x8e: {  	[hbm4b:s3+s2] =	stream.indirect_vreg.scatter [tilespmem:s17], [sflag:$0x1], $0x80, v3, vm0, $0xb8;
	[tilespmem:$0xC100] =	vst v63  }
0x8f: {  	_ = 	snop  }
0x90: {  	[hbm4b:s4+s2] =	stream.indirect_vreg.scatter [tilespmem:s18], [sflag:$0x1], $0x80, v3, vm0, $0xb8;
	[tilespmem:$0xC100] =	vst v63  }
0x91: {  	_ = 	snop  }
0x92: {  	[hbm4b:s5+s2] =	stream.indirect_vreg.scatter [tilespmem:s19], [sflag:$0x1], $0x80, v3, vm0, $0xb8;
	[tilespmem:$0xC100] =	vst v63  }
0x93: {  	v3 =	vld [tilespmem:$0xA0];
	_ =	sdelay $0x4  }
0x94: {  	v62 =	vshrl.u32 v3, $0x3  }
0x95: {  	v4 =	vmul.u32 $0x30, v62  }
0x96: {  	v3 =	vand.u32 $0x7, v3  }
0x97: {  	v3 =	vor.u32 v3, v4  }
0x98: {  	v4 =	vperm.xlane v3, v0;
	_ =	sdelay $0x1  }
0x99: {  	v4 =	vadd.s32 v1, v4;
	_ =	sdelay $0x3  }
0x9a: {  	v3 =	vperm.xlane v3, v2  }
0x9b: {  	[hbm4b:s3+s2] =	stream.indirect_vreg.scatter [tilespmem:s20], [sflag:$0x1], $0x80, v4, vm0, $0xb8;
	[tilespmem:$0xC100] =	vst v63  }
0x9c: {  	v3 =	vadd.s32 v1, v3  }
0x9d: {  	[hbm4b:s4+s2] =	stream.indirect_vreg.scatter [tilespmem:s21], [sflag:$0x1], $0x80, v4, vm0, $0xb8;
	[tilespmem:$0xC100] =	vst v63  }
0x9e: {  	_ = 	snop  }
0x9f: {  	[hbm4b:s5+s2] =	stream.indirect_vreg.scatter [tilespmem:s22], [sflag:$0x1], $0x80, v4, vm0, $0xb8;
	[tilespmem:$0xC100] =	vst v63  }
0xa0: {  	_ = 	snop  }
0xa1: {  	[hbm4b:s3+s2] =	stream.indirect_vreg.scatter [tilespmem:s23], [sflag:$0x1], $0x80, v3, vm0, $0xb8;
	[tilespmem:$0xC100] =	vst v63  }
0xa2: {  	_ = 	snop  }
0xa3: {  	[hbm4b:s4+s2] =	stream.indirect_vreg.scatter [tilespmem:s24], [sflag:$0x1], $0x80, v3, vm0, $0xb8;
	[tilespmem:$0xC100] =	vst v63  }
0xa4: {  	_ = 	snop  }
0xa5: {  	[hbm4b:s5+s2] =	stream.indirect_vreg.scatter [tilespmem:s25], [sflag:$0x1], $0x80, v3, vm0, $0xb8;
	[tilespmem:$0xC100] =	vst v63  }
0xa6: {  	v3 =	vld [tilespmem:$0xB0];
	_ =	sdelay $0x4  }
0xa7: {  	v63 =	vshrl.u32 v3, $0x3  }
0xa8: {  	v4 =	vmul.u32 $0x30, v63  }
0xa9: {  	v3 =	vand.u32 $0x7, v3  }
0xaa: {  	v3 =	vor.u32 v3, v4  }
0xab: {  	v4 =	vperm.xlane v3, v0;
	_ =	sdelay $0x1  }
0xac: {  	v4 =	vadd.s32 v1, v4;
	_ =	sdelay $0x3  }
0xad: {  	v3 =	vperm.xlane v3, v2  }
0xae: {  	[hbm4b:s3+s2] =	stream.indirect_vreg.scatter [tilespmem:s26], [sflag:$0x1], $0x80, v4, vm0, $0xb8;
	[tilespmem:$0xC100] =	vst v63  }
0xaf: {  	v3 =	vadd.s32 v1, v3  }
0xb0: {  	[hbm4b:s4+s2] =	stream.indirect_vreg.scatter [tilespmem:s28], [sflag:$0x1], $0x80, v4, vm0, $0xb8;
	[tilespmem:$0xC100] =	vst v63  }
0xb1: {  	_ = 	snop  }
0xb2: {  	[hbm4b:s5+s2] =	stream.indirect_vreg.scatter [tilespmem:s29], [sflag:$0x1], $0x80, v4, vm0, $0xb8;
	[tilespmem:$0xC100] =	vst v63  }
0xb3: {  	_ = 	snop  }
0xb4: {  	[hbm4b:s3+s2] =	stream.indirect_vreg.scatter [tilespmem:s30], [sflag:$0x1], $0x80, v3, vm0, $0xb8;
	[tilespmem:$0xC100] =	vst v63  }
0xb5: {  	_ = 	snop  }
0xb6: {  	[hbm4b:s4+s2] =	stream.indirect_vreg.scatter [tilespmem:s31], [sflag:$0x1], $0x80, v3, vm0, $0xb8;
	[tilespmem:$0xC100] =	vst v63  }
0xb7: {  	_ = 	snop  }
0xb8: {  	[hbm4b:s5+s2] =	stream.indirect_vreg.scatter [tilespmem:s0], [sflag:$0x1], $0x80, v3, vm0, $0xb8;
	[tilespmem:$0xC100] =	vst v63  }
0xb9: {  	p0 =	sne.s32 s6, $0x1;
	_ =	swait.ge [sflag:s1], $0xC000  }
.Ltmp0:
0xba: {  	[sflag:s1] =	ssyncset.done $0x0;
	(pc) =	sbr.rel @p0 .LBB2_1-.Ltmp0, $4  }
0xbb: {  	[sflag:s1] =	ssyncadd.s32 $0xFFFF4000  }
0xbc: {  	_ =	swait.ge [sflag:s1], $0xC000  }
0xbd: {  	[sflag:s1] =	ssyncset.done $0x0  }
0xbe: {  	s6 =	sadd.s32 $0xFFFFFFFF, s6;
	[sflag:s1] =	ssyncadd.s32 $0xFFFF4000  }
0xbf: {  	_ =	sfence.sel $0x180000  }
0xc0: {  	[bflag:$0x0] =	sbarrier.arrive $0xFFFF  }
0xc1: {  	_ =	strace $0x90000047  }
0xc2: {  	s0 =	stileid.u32;
	[bflag:$0x2] =	sbarrier.arrive $0xFFFF  }
0xc3: {  	p0 =	sne.s32 s0, $0x0;
	s0 =	rddreg [dreg:$0x2]  }
0xc4: {  	s0 =	sadd.s32 @!p0 $0x100000, s0  }
0xc5: {  	[sflag:s0] =	ssyncadd.tile.s32 @!p0 $0x1;
	_ =	shalt  }
.Lfunc_end2:
_tile_overlayer_lowered:
.L_overlay_start_2:
0xc6: {  	(tag) =	ssettag $0x2  }
0xc7: {  	s0 =	rddreg [dreg:$0x0];
	s2 =	stileid.u32  }
0xc8: {  	s1 =	rddreg [dreg:$0x1];
	p0 =	sne.s32 s2, $0x0  }
0xc9: {  	s3 =	rddreg [dreg:$0x2];
	[bflag:$0x3] =	sbarrier.arrive $0xFFFF;
	s2 =	simm.s32 @!p0 $0x1C02  }
0xca: {  	[timem:s3], [sflag:s2] =	dma.local @!p0 [hbm:s0], s1  }
0xcb: {  	s0 =	simm.s32 @!p0 $0x2  }
0xcc: {  	_ =	swait.ge @!p0 [sflag:s0], s1  }
0xcd: {  	s1 =	ssub.s32 @!p0 $0x0, s1;
	[sflag:s0] =	ssyncset.done @!p0 $0x0  }
0xce: {  	[sflag:s0] =	ssyncadd.s32 @!p0 s1  }
0xcf: {  	[bflag:$0x3] =	sbarrier.arrive $0xFFFF  }
0xd0: {  	_ =	shalt  }

</sc_bundles>
